<compile_context>
chip_gen: v7x
topology: tpu7x:2x2x1
jax: 0.10.2.dev20260603
libtpu: 0.0.44.dev20260713+nightly
codegen_flags: <defaults>
</compile_context>

<pallas_src>
import functools

import jax
import jax.numpy as jnp
from jax import lax
from jax.experimental import pallas as pl
from jax.experimental.pallas import tpu as pltpu
from jax.experimental.pallas import tpu_sc as plsc

N_NODES = 10000
N_EDGES = 160000
IN_DIM = 256
HIDDEN = 512
OUT_DIM = 256

DH = 128
NS = 16
E_PER_TILE = N_EDGES // NS
K = 80
N_STEPS = E_PER_TILE // K
ROWS_PER_TILE = 624
TAIL_OFF = ROWS_PER_TILE * NS
TAIL = N_NODES - TAIL_OFF


def _seg_kernel(x0_hbm, x1_hbm, src_hbm, dst_hbm, o0_hbm, o1_hbm,
                sidx, didx, rows, acc, sem):
    cid = lax.axis_index("c")
    sid = lax.axis_index("s")

    def run(x_hbm, o_hbm):
        r0 = sid * ROWS_PER_TILE
        pltpu.sync_copy(x_hbm.at[pl.ds(r0, ROWS_PER_TILE)],
                        acc.at[pl.ds(r0, ROWS_PER_TILE)])

        @pl.when(sid == NS - 1)
        def _():
            pltpu.sync_copy(x_hbm.at[pl.ds(TAIL_OFF, TAIL)],
                            acc.at[pl.ds(TAIL_OFF, TAIL)])

        plsc.subcore_barrier()

        e0 = sid * E_PER_TILE

        def step(i, carry):
            off = e0 + i * K
            pltpu.sync_copy(src_hbm.at[pl.ds(off, K)], sidx)
            pltpu.sync_copy(dst_hbm.at[pl.ds(off, K)], didx)
            pltpu.async_copy(x_hbm.at[sidx], rows, sem).wait()
            pltpu.sync_copy(rows, acc.at[didx], add=True)
            return carry

        lax.fori_loop(0, N_STEPS, step, 0)
        plsc.subcore_barrier()
        pltpu.sync_copy(acc.at[pl.ds(r0, ROWS_PER_TILE)],
                        o_hbm.at[pl.ds(r0, ROWS_PER_TILE)])

        @pl.when(sid == NS - 1)
        def _():
            pltpu.sync_copy(acc.at[pl.ds(TAIL_OFF, TAIL)],
                            o_hbm.at[pl.ds(TAIL_OFF, TAIL)])

    @pl.when(cid == 0)
    def _():
        run(x0_hbm, o0_hbm)

    @pl.when(cid == 1)
    def _():
        run(x1_hbm, o1_hbm)


_seg_sum = functools.partial(
    pl.kernel,
    _seg_kernel,
    out_type=(jax.ShapeDtypeStruct((N_NODES, DH), jnp.float32),
              jax.ShapeDtypeStruct((N_NODES, DH), jnp.float32)),
    mesh=plsc.VectorSubcoreMesh(core_axis_name="c", subcore_axis_name="s"),
    scratch_types=[
        pltpu.VMEM((K,), jnp.int32),
        pltpu.VMEM((K,), jnp.int32),
        pltpu.VMEM((K, DH), jnp.float32),
        pltpu.VMEM_SHARED((N_NODES, DH), jnp.float32),
        pltpu.SemaphoreType.DMA,
    ],
    name="gin_seg_sum",
)()

MB = 1000


def _mm_body(h0_ref, h1_ref, w1_ref, b1_ref, w2_ref, y0_ref, y1_ref):
    h = jnp.concatenate([h0_ref[...], h1_ref[...]], axis=1)
    x2 = jnp.maximum(jnp.dot(h, w1_ref[...],
                             preferred_element_type=jnp.float32) + b1_ref[...], 0.0)
    y2 = jnp.dot(x2, w2_ref[...], preferred_element_type=jnp.float32)
    y0_ref[...] = y2[:, :DH]
    y1_ref[...] = y2[:, DH:]


_mm = pl.pallas_call(
    _mm_body,
    grid=(N_NODES // MB,),
    in_specs=[
        pl.BlockSpec((MB, DH), lambda i: (i, 0)),
        pl.BlockSpec((MB, DH), lambda i: (i, 0)),
        pl.BlockSpec((IN_DIM, HIDDEN), lambda i: (0, 0)),
        pl.BlockSpec((1, HIDDEN), lambda i: (0, 0)),
        pl.BlockSpec((HIDDEN, OUT_DIM), lambda i: (0, 0)),
    ],
    out_specs=[
        pl.BlockSpec((MB, DH), lambda i: (i, 0)),
        pl.BlockSpec((MB, DH), lambda i: (i, 0)),
    ],
    out_shape=[
        jax.ShapeDtypeStruct((N_NODES, DH), jnp.float32),
        jax.ShapeDtypeStruct((N_NODES, DH), jnp.float32),
    ],
)


def _softmax_body(h0_ref, h1_ref, b2_ref, o_ref):
    z = jnp.concatenate([h0_ref[...], h1_ref[...]], axis=1) + b2_ref[...]
    m = jnp.max(z, axis=1, keepdims=True)
    e = jnp.exp(z - m)
    s = jnp.sum(e, axis=1, keepdims=True)
    o_ref[...] = (z - m) - jnp.log(s)


_softmax = pl.pallas_call(
    _softmax_body,
    grid=(N_NODES // MB,),
    in_specs=[
        pl.BlockSpec((MB, DH), lambda i: (i, 0)),
        pl.BlockSpec((MB, DH), lambda i: (i, 0)),
        pl.BlockSpec((1, OUT_DIM), lambda i: (0, 0)),
    ],
    out_specs=pl.BlockSpec((MB, OUT_DIM), lambda i: (i, 0)),
    out_shape=jax.ShapeDtypeStruct((N_NODES, OUT_DIM), jnp.float32),
)


def kernel(features, edge_index, W1, b1, W2, b2):
    src = edge_index[0].astype(jnp.int32)
    dst = edge_index[1].astype(jnp.int32)
    x0 = features[:, :DH]
    x1 = features[:, DH:]
    hp10, hp11 = _seg_sum(x0, x1, src, dst)
    y0, y1 = _mm(hp10, hp11, W1, b1.reshape(1, HIDDEN), W2)
    hp20, hp21 = _seg_sum(y0, y1, src, dst)
    return _softmax(hp20, hp21, b2.reshape(1, OUT_DIM))

# --- scband reference (transcript-rebuilt; emitter-appended) ---
"""Pipeline reference for scband-dgl-gin-50697793962361 (READ-ONLY COPY).

The authoritative reference and input builder live on the scoring server;
editing this copy changes nothing except your own understanding.
"""

import jax, jax.numpy as jnp
import numpy as np

N_NODES = 10000
N_EDGES = 160000
IN_DIM = 256
HIDDEN = 512
OUT_DIM = 256


def setup_inputs(seed: int = 0) -> dict:
    key = jax.random.key(seed)
    k1, k2, k3, k4, k5, k6 = jax.random.split(key, 6)
    features = jax.random.normal(k1, (N_NODES, IN_DIM), dtype=jnp.float32)
    edge_index = jax.random.randint(k2, (2, N_EDGES), 0, N_NODES, dtype=jnp.int64)
    # Linear layer params (PyTorch nn.Linear default init: U(-1/sqrt(fan_in), 1/sqrt(fan_in)))
    lim1 = 1.0 / np.sqrt(IN_DIM)
    W1 = jax.random.uniform(k3, (IN_DIM, HIDDEN), minval=-lim1, maxval=lim1, dtype=jnp.float32)
    b1 = jax.random.uniform(k4, (HIDDEN,), minval=-lim1, maxval=lim1, dtype=jnp.float32)
    lim2 = 1.0 / np.sqrt(HIDDEN)
    W2 = jax.random.uniform(k5, (HIDDEN, OUT_DIM), minval=-lim2, maxval=lim2, dtype=jnp.float32)
    b2 = jax.random.uniform(k6, (OUT_DIM,), minval=-lim2, maxval=lim2, dtype=jnp.float32)
    return {"features": features, "edge_index": edge_index, "W1": W1, "b1": b1, "W2": W2, "b2": b2}


def _gin_layer(x, src, dst, W, b):
    # DGL GINConv with aggregator_type='sum', eps=0 (default, not learned):
    # h_i = apply_func((1 + eps) * x_i + sum_{j in N(i)} x_j)
    msgs = jnp.take(x, src, axis=0)                         # gather src features
    agg = jax.ops.segment_sum(msgs, dst, num_segments=N_NODES)  # scatter-add to dst
    h = x + agg                                             # (1+eps)*x with eps=0
    return h @ W + b


def reference(features, edge_index, W1, b1, W2, b2):
    src = edge_index[0]
    dst = edge_index[1]
    x = _gin_layer(features, src, dst, W1, b1)
    x = jax.nn.relu(x)
    x = _gin_layer(x, src, dst, W2, b2)
    return jax.nn.log_softmax(x, axis=1)

if __name__ == "__main__":
    import jax
    _d = setup_inputs()
    print(jax.jit(kernel)(*tuple(_d.values())))

</pallas_src>

<mosaic_0001>
#map = affine_map<(d0, d1) -> (0, 0)>
#map1 = affine_map<(d0, d1) -> (0)>
module attributes {stable_mosaic.version = 14 : i64} {
  func.func @gin_seg_sum(%arg0: i32, %arg1: i32, %arg2: memref<10000x128xf32, #tpu.memory_space<hbm>>, %arg3: memref<10000x128xf32, #tpu.memory_space<hbm>>, %arg4: memref<160000xi32, #tpu.memory_space<hbm>>, %arg5: memref<160000xi32, #tpu.memory_space<hbm>>, %arg6: memref<10000x128xf32, #tpu.memory_space<hbm>>, %arg7: memref<10000x128xf32, #tpu.memory_space<hbm>>, %arg8: memref<80xi32, #tpu.memory_space<vmem>>, %arg9: memref<80xi32, #tpu.memory_space<vmem>>, %arg10: memref<80x128xf32, #tpu.memory_space<vmem>>, %arg11: memref<10000x128xf32, #tpu.memory_space<vmem_shared>>, %arg12: memref<!tpu.dma_semaphore, #tpu.memory_space<semaphore_mem>>) attributes {dimension_semantics = [#tpu.dimension_semantics<core_parallel>, #tpu.dimension_semantics<subcore_parallel>], iteration_bounds = array<i64: 2, 16>, scalar_prefetch = 0 : i64, scratch_operands = 5 : i64, tpu.core_type = #tpu.core_type<sc_vector_subcore>, window_params = [{transform_indices = #map}, {transform_indices = #map}, {transform_indices = #map1}, {transform_indices = #map1}, {transform_indices = #map}, {transform_indices = #map}]} {
    %eq3A = arith.constant 0 : i32
    %eq3A_0 = arith.cmpi eq, %arg0, %eq3A : i32
    %convert_element_type3A = arith.extui %eq3A_0 : i1 to i32
    %cond3A = arith.constant 0 : i32
    %cond3A_1 = arith.cmpi ne, %convert_element_type3A, %cond3A : i32
    scf.if %cond3A_1 {
      %mul3A = arith.constant 624 : i32
      %mul3A_7 = arith.muli %arg1, %mul3A : i32
      "tpu.region"() ({
        %run_scoped3A = tpu.sem_alloc : memref<!tpu.dma_semaphore, #tpu.memory_space<semaphore_mem>>
        %dma_start3A = arith.constant 0 : i32
        %dma_start3A_26 = tpu.memref_slice %arg11[%mul3A_7, %dma_start3A] : memref<10000x128xf32, #tpu.memory_space<vmem_shared>> -> memref<624x128xf32, #tpu.memory_space<vmem_shared>>
        %dma_start3A_27 = arith.constant 0 : i32
        %dma_start3A_28 = tpu.memref_slice %arg2[%mul3A_7, %dma_start3A_27] : memref<10000x128xf32, #tpu.memory_space<hbm>> -> memref<624x128xf32, #tpu.memory_space<hbm>>
        tpu.enqueue_dma source(%dma_start3A_28 : memref<624x128xf32, #tpu.memory_space<hbm>>) target(%dma_start3A_26 : memref<624x128xf32, #tpu.memory_space<vmem_shared>>) target_semaphore(%run_scoped3A : memref<!tpu.dma_semaphore, #tpu.memory_space<semaphore_mem>>)
        %dma_wait3A = arith.constant 0 : i32
        %dma_wait3A_29 = tpu.memref_slice %arg11[%mul3A_7, %dma_wait3A] : memref<10000x128xf32, #tpu.memory_space<vmem_shared>> -> memref<624x128xf32, #tpu.memory_space<vmem_shared>>
        %dma_wait3A_30 = arith.constant 0 : i32
        %dma_wait3A_31 = tpu.memref_slice %arg2[%mul3A_7, %dma_wait3A_30] : memref<10000x128xf32, #tpu.memory_space<hbm>> -> memref<624x128xf32, #tpu.memory_space<hbm>>
        tpu.wait_dma2 semaphore(%run_scoped3A : memref<!tpu.dma_semaphore, #tpu.memory_space<semaphore_mem>>) src(%dma_wait3A_31 : memref<624x128xf32, #tpu.memory_space<hbm>>) dst(%dma_wait3A_29 : memref<624x128xf32, #tpu.memory_space<vmem_shared>>)
        tpu.yield
      }) : () -> ()
      %eq3A_8 = arith.constant 15 : i32
      %eq3A_9 = arith.cmpi eq, %arg1, %eq3A_8 : i32
      %convert_element_type3A_10 = arith.extui %eq3A_9 : i1 to i32
      %cond3A_11 = arith.constant 0 : i32
      %cond3A_12 = arith.cmpi ne, %convert_element_type3A_10, %cond3A_11 : i32
      scf.if %cond3A_12 {
        "tpu.region"() ({
          %run_scoped3A = tpu.sem_alloc : memref<!tpu.dma_semaphore, #tpu.memory_space<semaphore_mem>>
          %dma_start3A = arith.constant 9984 : i32
          %dma_start3A_26 = arith.constant 0 : i32
          %dma_start3A_27 = tpu.memref_slice %arg11[%dma_start3A, %dma_start3A_26] : memref<10000x128xf32, #tpu.memory_space<vmem_shared>> -> memref<16x128xf32, #tpu.memory_space<vmem_shared>>
          %dma_start3A_28 = arith.constant 9984 : i32
          %dma_start3A_29 = arith.constant 0 : i32
          %dma_start3A_30 = tpu.memref_slice %arg2[%dma_start3A_28, %dma_start3A_29] : memref<10000x128xf32, #tpu.memory_space<hbm>> -> memref<16x128xf32, #tpu.memory_space<hbm>>
          tpu.enqueue_dma source(%dma_start3A_30 : memref<16x128xf32, #tpu.memory_space<hbm>>) target(%dma_start3A_27 : memref<16x128xf32, #tpu.memory_space<vmem_shared>>) target_semaphore(%run_scoped3A : memref<!tpu.dma_semaphore, #tpu.memory_space<semaphore_mem>>)
          %dma_wait3A = arith.constant 9984 : i32
          %dma_wait3A_31 = arith.constant 0 : i32
          %dma_wait3A_32 = tpu.memref_slice %arg11[%dma_wait3A, %dma_wait3A_31] : memref<10000x128xf32, #tpu.memory_space<vmem_shared>> -> memref<16x128xf32, #tpu.memory_space<vmem_shared>>
          %dma_wait3A_33 = arith.constant 9984 : i32
          %dma_wait3A_34 = arith.constant 0 : i32
          %dma_wait3A_35 = tpu.memref_slice %arg2[%dma_wait3A_33, %dma_wait3A_34] : memref<10000x128xf32, #tpu.memory_space<hbm>> -> memref<16x128xf32, #tpu.memory_space<hbm>>
          tpu.wait_dma2 semaphore(%run_scoped3A : memref<!tpu.dma_semaphore, #tpu.memory_space<semaphore_mem>>) src(%dma_wait3A_35 : memref<16x128xf32, #tpu.memory_space<hbm>>) dst(%dma_wait3A_32 : memref<16x128xf32, #tpu.memory_space<vmem_shared>>)
          tpu.yield
        }) : () -> ()
      } else {
      }
      %barrier3A = arith.constant 0 : index
      tpu.barrier barrier_id(%barrier3A)
      %mul3A_13 = arith.constant 10000 : i32
      %mul3A_14 = arith.muli %arg1, %mul3A_13 : i32
      %scan3A = arith.constant 0 : i32
      %scan3A_15 = arith.constant 0 : i32
      %scan3A_16 = arith.constant 125 : i32
      %scan3A_17 = arith.addi %scan3A_15, %scan3A_16 : i32
      %scan3A_18 = arith.constant 1 : i32
      scf.for %scan3A_26 = %scan3A_15 to %scan3A_17 step %scan3A_18  : i32 {
        %mul3A_27 = arith.constant 80 : i32
        %mul3A_28 = arith.muli %scan3A_26, %mul3A_27 : i32
        %add3A = arith.addi %mul3A_14, %mul3A_28 : i32
        "tpu.region"() ({
          %run_scoped3A = tpu.sem_alloc : memref<!tpu.dma_semaphore, #tpu.memory_space<semaphore_mem>>
          %dma_start3A_33 = tpu.memref_slice %arg4[%add3A] : memref<160000xi32, #tpu.memory_space<hbm>> -> memref<80xi32, #tpu.memory_space<hbm>>
          %dma_start3A_34 = tpu.memref_slice %arg4[%add3A] : memref<160000xi32, #tpu.memory_space<hbm>> -> memref<80xi32, #tpu.memory_space<hbm>>
          tpu.enqueue_dma source(%dma_start3A_34 : memref<80xi32, #tpu.memory_space<hbm>>) target(%arg8 : memref<80xi32, #tpu.memory_space<vmem>>) target_semaphore(%run_scoped3A : memref<!tpu.dma_semaphore, #tpu.memory_space<semaphore_mem>>)
          %dma_wait3A_35 = tpu.memref_slice %arg4[%add3A] : memref<160000xi32, #tpu.memory_space<hbm>> -> memref<80xi32, #tpu.memory_space<hbm>>
          %dma_wait3A_36 = tpu.memref_slice %arg4[%add3A] : memref<160000xi32, #tpu.memory_space<hbm>> -> memref<80xi32, #tpu.memory_space<hbm>>
          tpu.wait_dma2 semaphore(%run_scoped3A : memref<!tpu.dma_semaphore, #tpu.memory_space<semaphore_mem>>) src(%dma_wait3A_36 : memref<80xi32, #tpu.memory_space<hbm>>) dst(%arg8 : memref<80xi32, #tpu.memory_space<vmem>>)
          tpu.yield
        }) : () -> ()
        "tpu.region"() ({
          %run_scoped3A = tpu.sem_alloc : memref<!tpu.dma_semaphore, #tpu.memory_space<semaphore_mem>>
          %dma_start3A_33 = tpu.memref_slice %arg5[%add3A] : memref<160000xi32, #tpu.memory_space<hbm>> -> memref<80xi32, #tpu.memory_space<hbm>>
          %dma_start3A_34 = tpu.memref_slice %arg5[%add3A] : memref<160000xi32, #tpu.memory_space<hbm>> -> memref<80xi32, #tpu.memory_space<hbm>>
          tpu.enqueue_dma source(%dma_start3A_34 : memref<80xi32, #tpu.memory_space<hbm>>) target(%arg9 : memref<80xi32, #tpu.memory_space<vmem>>) target_semaphore(%run_scoped3A : memref<!tpu.dma_semaphore, #tpu.memory_space<semaphore_mem>>)
          %dma_wait3A_35 = tpu.memref_slice %arg5[%add3A] : memref<160000xi32, #tpu.memory_space<hbm>> -> memref<80xi32, #tpu.memory_space<hbm>>
          %dma_wait3A_36 = tpu.memref_slice %arg5[%add3A] : memref<160000xi32, #tpu.memory_space<hbm>> -> memref<80xi32, #tpu.memory_space<hbm>>
          tpu.wait_dma2 semaphore(%run_scoped3A : memref<!tpu.dma_semaphore, #tpu.memory_space<semaphore_mem>>) src(%dma_wait3A_36 : memref<80xi32, #tpu.memory_space<hbm>>) dst(%arg9 : memref<80xi32, #tpu.memory_space<vmem>>)
          tpu.yield
        }) : () -> ()
        %dma_start3A = arith.constant 0 : i32
        %dma_start3A_29 = arith.constant 0 : i32
        %dma_start3A_30 = tpu.memref_slice %arg2[%dma_start3A, %dma_start3A_29] : memref<10000x128xf32, #tpu.memory_space<hbm>> -> memref<10000x128xf32, #tpu.memory_space<hbm>>
        tpu.enqueue_indirect_dma source(%dma_start3A_30 : memref<10000x128xf32, #tpu.memory_space<hbm>>) target(%arg10 : memref<80x128xf32, #tpu.memory_space<vmem>>) offsets(%arg8 : memref<80xi32, #tpu.memory_space<vmem>>) semaphore(%arg12 : memref<!tpu.dma_semaphore, #tpu.memory_space<semaphore_mem>>)
        %dma_wait3A = arith.constant 0 : i32
        %dma_wait3A_31 = arith.constant 0 : i32
        %dma_wait3A_32 = tpu.memref_slice %arg2[%dma_wait3A, %dma_wait3A_31] : memref<10000x128xf32, #tpu.memory_space<hbm>> -> memref<10000x128xf32, #tpu.memory_space<hbm>>
        tpu.wait_indirect_dma semaphore(%arg12 : memref<!tpu.dma_semaphore, #tpu.memory_space<semaphore_mem>>) src(%dma_wait3A_32 : memref<10000x128xf32, #tpu.memory_space<hbm>>) dst(%arg10 : memref<80x128xf32, #tpu.memory_space<vmem>>)
        "tpu.region"() ({
          %run_scoped3A = tpu.sem_alloc : memref<!tpu.dma_semaphore, #tpu.memory_space<semaphore_mem>>
          %dma_start3A_33 = arith.constant 0 : i32
          %dma_start3A_34 = arith.constant 0 : i32
          %dma_start3A_35 = tpu.memref_slice %arg11[%dma_start3A_33, %dma_start3A_34] : memref<10000x128xf32, #tpu.memory_space<vmem_shared>> -> memref<10000x128xf32, #tpu.memory_space<vmem_shared>>
          tpu.enqueue_indirect_dma source(%arg10 : memref<80x128xf32, #tpu.memory_space<vmem>>) target(%dma_start3A_35 : memref<10000x128xf32, #tpu.memory_space<vmem_shared>>) offsets(%arg9 : memref<80xi32, #tpu.memory_space<vmem>>) semaphore(%run_scoped3A : memref<!tpu.dma_semaphore, #tpu.memory_space<semaphore_mem>>) {add = true}
          %dma_wait3A_36 = arith.constant 0 : i32
          %dma_wait3A_37 = arith.constant 0 : i32
          %dma_wait3A_38 = tpu.memref_slice %arg11[%dma_wait3A_36, %dma_wait3A_37] : memref<10000x128xf32, #tpu.memory_space<vmem_shared>> -> memref<10000x128xf32, #tpu.memory_space<vmem_shared>>
          tpu.wait_indirect_dma semaphore(%run_scoped3A : memref<!tpu.dma_semaphore, #tpu.memory_space<semaphore_mem>>) src(%arg10 : memref<80x128xf32, #tpu.memory_space<vmem>>) dst(%dma_wait3A_38 : memref<10000x128xf32, #tpu.memory_space<vmem_shared>>)
          tpu.yield
        }) : () -> ()
      }
      %scan3A_19 = arith.constant 125 : i32
      %barrier3A_20 = arith.constant 0 : index
      tpu.barrier barrier_id(%barrier3A_20)
      "tpu.region"() ({
        %run_scoped3A = tpu.sem_alloc : memref<!tpu.dma_semaphore, #tpu.memory_space<semaphore_mem>>
        %dma_start3A = arith.constant 0 : i32
        %dma_start3A_26 = tpu.memref_slice %arg6[%mul3A_7, %dma_start3A] : memref<10000x128xf32, #tpu.memory_space<hbm>> -> memref<624x128xf32, #tpu.memory_space<hbm>>
        %dma_start3A_27 = arith.constant 0 : i32
        %dma_start3A_28 = tpu.memref_slice %arg11[%mul3A_7, %dma_start3A_27] : memref<10000x128xf32, #tpu.memory_space<vmem_shared>> -> memref<624x128xf32, #tpu.memory_space<vmem_shared>>
        tpu.enqueue_dma source(%dma_start3A_28 : memref<624x128xf32, #tpu.memory_space<vmem_shared>>) target(%dma_start3A_26 : memref<624x128xf32, #tpu.memory_space<hbm>>) target_semaphore(%run_scoped3A : memref<!tpu.dma_semaphore, #tpu.memory_space<semaphore_mem>>)
        %dma_wait3A = arith.constant 0 : i32
        %dma_wait3A_29 = tpu.memref_slice %arg6[%mul3A_7, %dma_wait3A] : memref<10000x128xf32, #tpu.memory_space<hbm>> -> memref<624x128xf32, #tpu.memory_space<hbm>>
        %dma_wait3A_30 = arith.constant 0 : i32
        %dma_wait3A_31 = tpu.memref_slice %arg11[%mul3A_7, %dma_wait3A_30] : memref<10000x128xf32, #tpu.memory_space<vmem_shared>> -> memref<624x128xf32, #tpu.memory_space<vmem_shared>>
        tpu.wait_dma2 semaphore(%run_scoped3A : memref<!tpu.dma_semaphore, #tpu.memory_space<semaphore_mem>>) src(%dma_wait3A_31 : memref<624x128xf32, #tpu.memory_space<vmem_shared>>) dst(%dma_wait3A_29 : memref<624x128xf32, #tpu.memory_space<hbm>>)
        tpu.yield
      }) : () -> ()
      %eq3A_21 = arith.constant 15 : i32
      %eq3A_22 = arith.cmpi eq, %arg1, %eq3A_21 : i32
      %convert_element_type3A_23 = arith.extui %eq3A_22 : i1 to i32
      %cond3A_24 = arith.constant 0 : i32
      %cond3A_25 = arith.cmpi ne, %convert_element_type3A_23, %cond3A_24 : i32
      scf.if %cond3A_25 {
        "tpu.region"() ({
          %run_scoped3A = tpu.sem_alloc : memref<!tpu.dma_semaphore, #tpu.memory_space<semaphore_mem>>
          %dma_start3A = arith.constant 9984 : i32
          %dma_start3A_26 = arith.constant 0 : i32
          %dma_start3A_27 = tpu.memref_slice %arg6[%dma_start3A, %dma_start3A_26] : memref<10000x128xf32, #tpu.memory_space<hbm>> -> memref<16x128xf32, #tpu.memory_space<hbm>>
          %dma_start3A_28 = arith.constant 9984 : i32
          %dma_start3A_29 = arith.constant 0 : i32
          %dma_start3A_30 = tpu.memref_slice %arg11[%dma_start3A_28, %dma_start3A_29] : memref<10000x128xf32, #tpu.memory_space<vmem_shared>> -> memref<16x128xf32, #tpu.memory_space<vmem_shared>>
          tpu.enqueue_dma source(%dma_start3A_30 : memref<16x128xf32, #tpu.memory_space<vmem_shared>>) target(%dma_start3A_27 : memref<16x128xf32, #tpu.memory_space<hbm>>) target_semaphore(%run_scoped3A : memref<!tpu.dma_semaphore, #tpu.memory_space<semaphore_mem>>)
          %dma_wait3A = arith.constant 9984 : i32
          %dma_wait3A_31 = arith.constant 0 : i32
          %dma_wait3A_32 = tpu.memref_slice %arg6[%dma_wait3A, %dma_wait3A_31] : memref<10000x128xf32, #tpu.memory_space<hbm>> -> memref<16x128xf32, #tpu.memory_space<hbm>>
          %dma_wait3A_33 = arith.constant 9984 : i32
          %dma_wait3A_34 = arith.constant 0 : i32
          %dma_wait3A_35 = tpu.memref_slice %arg11[%dma_wait3A_33, %dma_wait3A_34] : memref<10000x128xf32, #tpu.memory_space<vmem_shared>> -> memref<16x128xf32, #tpu.memory_space<vmem_shared>>
          tpu.wait_dma2 semaphore(%run_scoped3A : memref<!tpu.dma_semaphore, #tpu.memory_space<semaphore_mem>>) src(%dma_wait3A_35 : memref<16x128xf32, #tpu.memory_space<vmem_shared>>) dst(%dma_wait3A_32 : memref<16x128xf32, #tpu.memory_space<hbm>>)
          tpu.yield
        }) : () -> ()
      } else {
      }
    } else {
    }
    %eq3A_2 = arith.constant 1 : i32
    %eq3A_3 = arith.cmpi eq, %arg0, %eq3A_2 : i32
    %convert_element_type3A_4 = arith.extui %eq3A_3 : i1 to i32
    %cond3A_5 = arith.constant 0 : i32
    %cond3A_6 = arith.cmpi ne, %convert_element_type3A_4, %cond3A_5 : i32
    scf.if %cond3A_6 {
      %mul3A = arith.constant 624 : i32
      %mul3A_7 = arith.muli %arg1, %mul3A : i32
      "tpu.region"() ({
        %run_scoped3A = tpu.sem_alloc : memref<!tpu.dma_semaphore, #tpu.memory_space<semaphore_mem>>
        %dma_start3A = arith.constant 0 : i32
        %dma_start3A_26 = tpu.memref_slice %arg11[%mul3A_7, %dma_start3A] : memref<10000x128xf32, #tpu.memory_space<vmem_shared>> -> memref<624x128xf32, #tpu.memory_space<vmem_shared>>
        %dma_start3A_27 = arith.constant 0 : i32
        %dma_start3A_28 = tpu.memref_slice %arg3[%mul3A_7, %dma_start3A_27] : memref<10000x128xf32, #tpu.memory_space<hbm>> -> memref<624x128xf32, #tpu.memory_space<hbm>>
        tpu.enqueue_dma source(%dma_start3A_28 : memref<624x128xf32, #tpu.memory_space<hbm>>) target(%dma_start3A_26 : memref<624x128xf32, #tpu.memory_space<vmem_shared>>) target_semaphore(%run_scoped3A : memref<!tpu.dma_semaphore, #tpu.memory_space<semaphore_mem>>)
        %dma_wait3A = arith.constant 0 : i32
        %dma_wait3A_29 = tpu.memref_slice %arg11[%mul3A_7, %dma_wait3A] : memref<10000x128xf32, #tpu.memory_space<vmem_shared>> -> memref<624x128xf32, #tpu.memory_space<vmem_shared>>
        %dma_wait3A_30 = arith.constant 0 : i32
        %dma_wait3A_31 = tpu.memref_slice %arg3[%mul3A_7, %dma_wait3A_30] : memref<10000x128xf32, #tpu.memory_space<hbm>> -> memref<624x128xf32, #tpu.memory_space<hbm>>
        tpu.wait_dma2 semaphore(%run_scoped3A : memref<!tpu.dma_semaphore, #tpu.memory_space<semaphore_mem>>) src(%dma_wait3A_31 : memref<624x128xf32, #tpu.memory_space<hbm>>) dst(%dma_wait3A_29 : memref<624x128xf32, #tpu.memory_space<vmem_shared>>)
        tpu.yield
      }) : () -> ()
      %eq3A_8 = arith.constant 15 : i32
      %eq3A_9 = arith.cmpi eq, %arg1, %eq3A_8 : i32
      %convert_element_type3A_10 = arith.extui %eq3A_9 : i1 to i32
      %cond3A_11 = arith.constant 0 : i32
      %cond3A_12 = arith.cmpi ne, %convert_element_type3A_10, %cond3A_11 : i32
      scf.if %cond3A_12 {
        "tpu.region"() ({
          %run_scoped3A = tpu.sem_alloc : memref<!tpu.dma_semaphore, #tpu.memory_space<semaphore_mem>>
          %dma_start3A = arith.constant 9984 : i32
          %dma_start3A_26 = arith.constant 0 : i32
          %dma_start3A_27 = tpu.memref_slice %arg11[%dma_start3A, %dma_start3A_26] : memref<10000x128xf32, #tpu.memory_space<vmem_shared>> -> memref<16x128xf32, #tpu.memory_space<vmem_shared>>
          %dma_start3A_28 = arith.constant 9984 : i32
          %dma_start3A_29 = arith.constant 0 : i32
          %dma_start3A_30 = tpu.memref_slice %arg3[%dma_start3A_28, %dma_start3A_29] : memref<10000x128xf32, #tpu.memory_space<hbm>> -> memref<16x128xf32, #tpu.memory_space<hbm>>
          tpu.enqueue_dma source(%dma_start3A_30 : memref<16x128xf32, #tpu.memory_space<hbm>>) target(%dma_start3A_27 : memref<16x128xf32, #tpu.memory_space<vmem_shared>>) target_semaphore(%run_scoped3A : memref<!tpu.dma_semaphore, #tpu.memory_space<semaphore_mem>>)
          %dma_wait3A = arith.constant 9984 : i32
          %dma_wait3A_31 = arith.constant 0 : i32
          %dma_wait3A_32 = tpu.memref_slice %arg11[%dma_wait3A, %dma_wait3A_31] : memref<10000x128xf32, #tpu.memory_space<vmem_shared>> -> memref<16x128xf32, #tpu.memory_space<vmem_shared>>
          %dma_wait3A_33 = arith.constant 9984 : i32
          %dma_wait3A_34 = arith.constant 0 : i32
          %dma_wait3A_35 = tpu.memref_slice %arg3[%dma_wait3A_33, %dma_wait3A_34] : memref<10000x128xf32, #tpu.memory_space<hbm>> -> memref<16x128xf32, #tpu.memory_space<hbm>>
          tpu.wait_dma2 semaphore(%run_scoped3A : memref<!tpu.dma_semaphore, #tpu.memory_space<semaphore_mem>>) src(%dma_wait3A_35 : memref<16x128xf32, #tpu.memory_space<hbm>>) dst(%dma_wait3A_32 : memref<16x128xf32, #tpu.memory_space<vmem_shared>>)
          tpu.yield
        }) : () -> ()
      } else {
      }
      %barrier3A = arith.constant 0 : index
      tpu.barrier barrier_id(%barrier3A)
      %mul3A_13 = arith.constant 10000 : i32
      %mul3A_14 = arith.muli %arg1, %mul3A_13 : i32
      %scan3A = arith.constant 0 : i32
      %scan3A_15 = arith.constant 0 : i32
      %scan3A_16 = arith.constant 125 : i32
      %scan3A_17 = arith.addi %scan3A_15, %scan3A_16 : i32
      %scan3A_18 = arith.constant 1 : i32
      scf.for %scan3A_26 = %scan3A_15 to %scan3A_17 step %scan3A_18  : i32 {
        %mul3A_27 = arith.constant 80 : i32
        %mul3A_28 = arith.muli %scan3A_26, %mul3A_27 : i32
        %add3A = arith.addi %mul3A_14, %mul3A_28 : i32
        "tpu.region"() ({
          %run_scoped3A = tpu.sem_alloc : memref<!tpu.dma_semaphore, #tpu.memory_space<semaphore_mem>>
          %dma_start3A_33 = tpu.memref_slice %arg4[%add3A] : memref<160000xi32, #tpu.memory_space<hbm>> -> memref<80xi32, #tpu.memory_space<hbm>>
          %dma_start3A_34 = tpu.memref_slice %arg4[%add3A] : memref<160000xi32, #tpu.memory_space<hbm>> -> memref<80xi32, #tpu.memory_space<hbm>>
          tpu.enqueue_dma source(%dma_start3A_34 : memref<80xi32, #tpu.memory_space<hbm>>) target(%arg8 : memref<80xi32, #tpu.memory_space<vmem>>) target_semaphore(%run_scoped3A : memref<!tpu.dma_semaphore, #tpu.memory_space<semaphore_mem>>)
          %dma_wait3A_35 = tpu.memref_slice %arg4[%add3A] : memref<160000xi32, #tpu.memory_space<hbm>> -> memref<80xi32, #tpu.memory_space<hbm>>
          %dma_wait3A_36 = tpu.memref_slice %arg4[%add3A] : memref<160000xi32, #tpu.memory_space<hbm>> -> memref<80xi32, #tpu.memory_space<hbm>>
          tpu.wait_dma2 semaphore(%run_scoped3A : memref<!tpu.dma_semaphore, #tpu.memory_space<semaphore_mem>>) src(%dma_wait3A_36 : memref<80xi32, #tpu.memory_space<hbm>>) dst(%arg8 : memref<80xi32, #tpu.memory_space<vmem>>)
          tpu.yield
        }) : () -> ()
        "tpu.region"() ({
          %run_scoped3A = tpu.sem_alloc : memref<!tpu.dma_semaphore, #tpu.memory_space<semaphore_mem>>
          %dma_start3A_33 = tpu.memref_slice %arg5[%add3A] : memref<160000xi32, #tpu.memory_space<hbm>> -> memref<80xi32, #tpu.memory_space<hbm>>
          %dma_start3A_34 = tpu.memref_slice %arg5[%add3A] : memref<160000xi32, #tpu.memory_space<hbm>> -> memref<80xi32, #tpu.memory_space<hbm>>
          tpu.enqueue_dma source(%dma_start3A_34 : memref<80xi32, #tpu.memory_space<hbm>>) target(%arg9 : memref<80xi32, #tpu.memory_space<vmem>>) target_semaphore(%run_scoped3A : memref<!tpu.dma_semaphore, #tpu.memory_space<semaphore_mem>>)
          %dma_wait3A_35 = tpu.memref_slice %arg5[%add3A] : memref<160000xi32, #tpu.memory_space<hbm>> -> memref<80xi32, #tpu.memory_space<hbm>>
          %dma_wait3A_36 = tpu.memref_slice %arg5[%add3A] : memref<160000xi32, #tpu.memory_space<hbm>> -> memref<80xi32, #tpu.memory_space<hbm>>
          tpu.wait_dma2 semaphore(%run_scoped3A : memref<!tpu.dma_semaphore, #tpu.memory_space<semaphore_mem>>) src(%dma_wait3A_36 : memref<80xi32, #tpu.memory_space<hbm>>) dst(%arg9 : memref<80xi32, #tpu.memory_space<vmem>>)
          tpu.yield
        }) : () -> ()
        %dma_start3A = arith.constant 0 : i32
        %dma_start3A_29 = arith.constant 0 : i32
        %dma_start3A_30 = tpu.memref_slice %arg3[%dma_start3A, %dma_start3A_29] : memref<10000x128xf32, #tpu.memory_space<hbm>> -> memref<10000x128xf32, #tpu.memory_space<hbm>>
        tpu.enqueue_indirect_dma source(%dma_start3A_30 : memref<10000x128xf32, #tpu.memory_space<hbm>>) target(%arg10 : memref<80x128xf32, #tpu.memory_space<vmem>>) offsets(%arg8 : memref<80xi32, #tpu.memory_space<vmem>>) semaphore(%arg12 : memref<!tpu.dma_semaphore, #tpu.memory_space<semaphore_mem>>)
        %dma_wait3A = arith.constant 0 : i32
        %dma_wait3A_31 = arith.constant 0 : i32
        %dma_wait3A_32 = tpu.memref_slice %arg3[%dma_wait3A, %dma_wait3A_31] : memref<10000x128xf32, #tpu.memory_space<hbm>> -> memref<10000x128xf32, #tpu.memory_space<hbm>>
        tpu.wait_indirect_dma semaphore(%arg12 : memref<!tpu.dma_semaphore, #tpu.memory_space<semaphore_mem>>) src(%dma_wait3A_32 : memref<10000x128xf32, #tpu.memory_space<hbm>>) dst(%arg10 : memref<80x128xf32, #tpu.memory_space<vmem>>)
        "tpu.region"() ({
          %run_scoped3A = tpu.sem_alloc : memref<!tpu.dma_semaphore, #tpu.memory_space<semaphore_mem>>
          %dma_start3A_33 = arith.constant 0 : i32
          %dma_start3A_34 = arith.constant 0 : i32
          %dma_start3A_35 = tpu.memref_slice %arg11[%dma_start3A_33, %dma_start3A_34] : memref<10000x128xf32, #tpu.memory_space<vmem_shared>> -> memref<10000x128xf32, #tpu.memory_space<vmem_shared>>
          tpu.enqueue_indirect_dma source(%arg10 : memref<80x128xf32, #tpu.memory_space<vmem>>) target(%dma_start3A_35 : memref<10000x128xf32, #tpu.memory_space<vmem_shared>>) offsets(%arg9 : memref<80xi32, #tpu.memory_space<vmem>>) semaphore(%run_scoped3A : memref<!tpu.dma_semaphore, #tpu.memory_space<semaphore_mem>>) {add = true}
          %dma_wait3A_36 = arith.constant 0 : i32
          %dma_wait3A_37 = arith.constant 0 : i32
          %dma_wait3A_38 = tpu.memref_slice %arg11[%dma_wait3A_36, %dma_wait3A_37] : memref<10000x128xf32, #tpu.memory_space<vmem_shared>> -> memref<10000x128xf32, #tpu.memory_space<vmem_shared>>
          tpu.wait_indirect_dma semaphore(%run_scoped3A : memref<!tpu.dma_semaphore, #tpu.memory_space<semaphore_mem>>) src(%arg10 : memref<80x128xf32, #tpu.memory_space<vmem>>) dst(%dma_wait3A_38 : memref<10000x128xf32, #tpu.memory_space<vmem_shared>>)
          tpu.yield
        }) : () -> ()
      }
      %scan3A_19 = arith.constant 125 : i32
      %barrier3A_20 = arith.constant 0 : index
      tpu.barrier barrier_id(%barrier3A_20)
      "tpu.region"() ({
        %run_scoped3A = tpu.sem_alloc : memref<!tpu.dma_semaphore, #tpu.memory_space<semaphore_mem>>
        %dma_start3A = arith.constant 0 : i32
        %dma_start3A_26 = tpu.memref_slice %arg7[%mul3A_7, %dma_start3A] : memref<10000x128xf32, #tpu.memory_space<hbm>> -> memref<624x128xf32, #tpu.memory_space<hbm>>
        %dma_start3A_27 = arith.constant 0 : i32
        %dma_start3A_28 = tpu.memref_slice %arg11[%mul3A_7, %dma_start3A_27] : memref<10000x128xf32, #tpu.memory_space<vmem_shared>> -> memref<624x128xf32, #tpu.memory_space<vmem_shared>>
        tpu.enqueue_dma source(%dma_start3A_28 : memref<624x128xf32, #tpu.memory_space<vmem_shared>>) target(%dma_start3A_26 : memref<624x128xf32, #tpu.memory_space<hbm>>) target_semaphore(%run_scoped3A : memref<!tpu.dma_semaphore, #tpu.memory_space<semaphore_mem>>)
        %dma_wait3A = arith.constant 0 : i32
        %dma_wait3A_29 = tpu.memref_slice %arg7[%mul3A_7, %dma_wait3A] : memref<10000x128xf32, #tpu.memory_space<hbm>> -> memref<624x128xf32, #tpu.memory_space<hbm>>
        %dma_wait3A_30 = arith.constant 0 : i32
        %dma_wait3A_31 = tpu.memref_slice %arg11[%mul3A_7, %dma_wait3A_30] : memref<10000x128xf32, #tpu.memory_space<vmem_shared>> -> memref<624x128xf32, #tpu.memory_space<vmem_shared>>
        tpu.wait_dma2 semaphore(%run_scoped3A : memref<!tpu.dma_semaphore, #tpu.memory_space<semaphore_mem>>) src(%dma_wait3A_31 : memref<624x128xf32, #tpu.memory_space<vmem_shared>>) dst(%dma_wait3A_29 : memref<624x128xf32, #tpu.memory_space<hbm>>)
        tpu.yield
      }) : () -> ()
      %eq3A_21 = arith.constant 15 : i32
      %eq3A_22 = arith.cmpi eq, %arg1, %eq3A_21 : i32
      %convert_element_type3A_23 = arith.extui %eq3A_22 : i1 to i32
      %cond3A_24 = arith.constant 0 : i32
      %cond3A_25 = arith.cmpi ne, %convert_element_type3A_23, %cond3A_24 : i32
      scf.if %cond3A_25 {
        "tpu.region"() ({
          %run_scoped3A = tpu.sem_alloc : memref<!tpu.dma_semaphore, #tpu.memory_space<semaphore_mem>>
          %dma_start3A = arith.constant 9984 : i32
          %dma_start3A_26 = arith.constant 0 : i32
          %dma_start3A_27 = tpu.memref_slice %arg7[%dma_start3A, %dma_start3A_26] : memref<10000x128xf32, #tpu.memory_space<hbm>> -> memref<16x128xf32, #tpu.memory_space<hbm>>
          %dma_start3A_28 = arith.constant 9984 : i32
          %dma_start3A_29 = arith.constant 0 : i32
          %dma_start3A_30 = tpu.memref_slice %arg11[%dma_start3A_28, %dma_start3A_29] : memref<10000x128xf32, #tpu.memory_space<vmem_shared>> -> memref<16x128xf32, #tpu.memory_space<vmem_shared>>
          tpu.enqueue_dma source(%dma_start3A_30 : memref<16x128xf32, #tpu.memory_space<vmem_shared>>) target(%dma_start3A_27 : memref<16x128xf32, #tpu.memory_space<hbm>>) target_semaphore(%run_scoped3A : memref<!tpu.dma_semaphore, #tpu.memory_space<semaphore_mem>>)
          %dma_wait3A = arith.constant 9984 : i32
          %dma_wait3A_31 = arith.constant 0 : i32
          %dma_wait3A_32 = tpu.memref_slice %arg7[%dma_wait3A, %dma_wait3A_31] : memref<10000x128xf32, #tpu.memory_space<hbm>> -> memref<16x128xf32, #tpu.memory_space<hbm>>
          %dma_wait3A_33 = arith.constant 9984 : i32
          %dma_wait3A_34 = arith.constant 0 : i32
          %dma_wait3A_35 = tpu.memref_slice %arg11[%dma_wait3A_33, %dma_wait3A_34] : memref<10000x128xf32, #tpu.memory_space<vmem_shared>> -> memref<16x128xf32, #tpu.memory_space<vmem_shared>>
          tpu.wait_dma2 semaphore(%run_scoped3A : memref<!tpu.dma_semaphore, #tpu.memory_space<semaphore_mem>>) src(%dma_wait3A_35 : memref<16x128xf32, #tpu.memory_space<vmem_shared>>) dst(%dma_wait3A_32 : memref<16x128xf32, #tpu.memory_space<hbm>>)
          tpu.yield
        }) : () -> ()
      } else {
      }
    } else {
    }
    return
  }
}

#map = affine_map<(d0, d1) -> (0, 0)>
#map1 = affine_map<(d0, d1) -> (0)>
module attributes {stable_mosaic.version = 14 : i64} {
  func.func @gin_seg_sum(%arg0: i32, %arg1: i32, %arg2: memref<10000x128xf32, #tpu.memory_space<hbm>>, %arg3: memref<10000x128xf32, #tpu.memory_space<hbm>>, %arg4: memref<160000xi32, #tpu.memory_space<hbm>>, %arg5: memref<160000xi32, #tpu.memory_space<hbm>>, %arg6: memref<10000x128xf32, #tpu.memory_space<hbm>>, %arg7: memref<10000x128xf32, #tpu.memory_space<hbm>>, %arg8: memref<80xi32, #tpu.memory_space<vmem>>, %arg9: memref<80xi32, #tpu.memory_space<vmem>>, %arg10: memref<80x128xf32, #tpu.memory_space<vmem>>, %arg11: memref<10000x128xf32, #tpu.memory_space<vmem_shared>>, %arg12: memref<!tpu.dma_semaphore, #tpu.memory_space<semaphore_mem>>) attributes {dimension_semantics = [#tpu.dimension_semantics<core_parallel>, #tpu.dimension_semantics<subcore_parallel>], iteration_bounds = array<i64: 2, 16>, scalar_prefetch = 0 : i64, scratch_operands = 5 : i64, tpu.core_type = #tpu.core_type<sc_vector_subcore>, window_params = [{transform_indices = #map}, {transform_indices = #map}, {transform_indices = #map1}, {transform_indices = #map1}, {transform_indices = #map}, {transform_indices = #map}]} {
    %eq3A = arith.constant 0 : i32
    %eq3A_0 = arith.cmpi eq, %arg0, %eq3A : i32
    %convert_element_type3A = arith.extui %eq3A_0 : i1 to i32
    %cond3A = arith.constant 0 : i32
    %cond3A_1 = arith.cmpi ne, %convert_element_type3A, %cond3A : i32
    scf.if %cond3A_1 {
      %mul3A = arith.constant 624 : i32
      %mul3A_7 = arith.muli %arg1, %mul3A : i32
      "tpu.region"() ({
        %run_scoped3A = tpu.sem_alloc : memref<!tpu.dma_semaphore, #tpu.memory_space<semaphore_mem>>
        %dma_start3A = arith.constant 0 : i32
        %dma_start3A_26 = tpu.memref_slice %arg11[%mul3A_7, %dma_start3A] : memref<10000x128xf32, #tpu.memory_space<vmem_shared>> -> memref<624x128xf32, #tpu.memory_space<vmem_shared>>
        %dma_start3A_27 = arith.constant 0 : i32
        %dma_start3A_28 = tpu.memref_slice %arg2[%mul3A_7, %dma_start3A_27] : memref<10000x128xf32, #tpu.memory_space<hbm>> -> memref<624x128xf32, #tpu.memory_space<hbm>>
        tpu.enqueue_dma source(%dma_start3A_28 : memref<624x128xf32, #tpu.memory_space<hbm>>) target(%dma_start3A_26 : memref<624x128xf32, #tpu.memory_space<vmem_shared>>) target_semaphore(%run_scoped3A : memref<!tpu.dma_semaphore, #tpu.memory_space<semaphore_mem>>)
        %dma_wait3A = arith.constant 0 : i32
        %dma_wait3A_29 = tpu.memref_slice %arg11[%mul3A_7, %dma_wait3A] : memref<10000x128xf32, #tpu.memory_space<vmem_shared>> -> memref<624x128xf32, #tpu.memory_space<vmem_shared>>
        %dma_wait3A_30 = arith.constant 0 : i32
        %dma_wait3A_31 = tpu.memref_slice %arg2[%mul3A_7, %dma_wait3A_30] : memref<10000x128xf32, #tpu.memory_space<hbm>> -> memref<624x128xf32, #tpu.memory_space<hbm>>
        tpu.wait_dma2 semaphore(%run_scoped3A : memref<!tpu.dma_semaphore, #tpu.memory_space<semaphore_mem>>) src(%dma_wait3A_31 : memref<624x128xf32, #tpu.memory_space<hbm>>) dst(%dma_wait3A_29 : memref<624x128xf32, #tpu.memory_space<vmem_shared>>)
        tpu.yield
      }) : () -> ()
      %eq3A_8 = arith.constant 15 : i32
      %eq3A_9 = arith.cmpi eq, %arg1, %eq3A_8 : i32
      %convert_element_type3A_10 = arith.extui %eq3A_9 : i1 to i32
      %cond3A_11 = arith.constant 0 : i32
      %cond3A_12 = arith.cmpi ne, %convert_element_type3A_10, %cond3A_11 : i32
      scf.if %cond3A_12 {
        "tpu.region"() ({
          %run_scoped3A = tpu.sem_alloc : memref<!tpu.dma_semaphore, #tpu.memory_space<semaphore_mem>>
          %dma_start3A = arith.constant 9984 : i32
          %dma_start3A_26 = arith.constant 0 : i32
          %dma_start3A_27 = tpu.memref_slice %arg11[%dma_start3A, %dma_start3A_26] : memref<10000x128xf32, #tpu.memory_space<vmem_shared>> -> memref<16x128xf32, #tpu.memory_space<vmem_shared>>
          %dma_start3A_28 = arith.constant 9984 : i32
          %dma_start3A_29 = arith.constant 0 : i32
          %dma_start3A_30 = tpu.memref_slice %arg2[%dma_start3A_28, %dma_start3A_29] : memref<10000x128xf32, #tpu.memory_space<hbm>> -> memref<16x128xf32, #tpu.memory_space<hbm>>
          tpu.enqueue_dma source(%dma_start3A_30 : memref<16x128xf32, #tpu.memory_space<hbm>>) target(%dma_start3A_27 : memref<16x128xf32, #tpu.memory_space<vmem_shared>>) target_semaphore(%run_scoped3A : memref<!tpu.dma_semaphore, #tpu.memory_space<semaphore_mem>>)
          %dma_wait3A = arith.constant 9984 : i32
          %dma_wait3A_31 = arith.constant 0 : i32
          %dma_wait3A_32 = tpu.memref_slice %arg11[%dma_wait3A, %dma_wait3A_31] : memref<10000x128xf32, #tpu.memory_space<vmem_shared>> -> memref<16x128xf32, #tpu.memory_space<vmem_shared>>
          %dma_wait3A_33 = arith.constant 9984 : i32
          %dma_wait3A_34 = arith.constant 0 : i32
          %dma_wait3A_35 = tpu.memref_slice %arg2[%dma_wait3A_33, %dma_wait3A_34] : memref<10000x128xf32, #tpu.memory_space<hbm>> -> memref<16x128xf32, #tpu.memory_space<hbm>>
          tpu.wait_dma2 semaphore(%run_scoped3A : memref<!tpu.dma_semaphore, #tpu.memory_space<semaphore_mem>>) src(%dma_wait3A_35 : memref<16x128xf32, #tpu.memory_space<hbm>>) dst(%dma_wait3A_32 : memref<16x128xf32, #tpu.memory_space<vmem_shared>>)
          tpu.yield
        }) : () -> ()
      } else {
      }
      %barrier3A = arith.constant 0 : index
      tpu.barrier barrier_id(%barrier3A)
      %mul3A_13 = arith.constant 10000 : i32
      %mul3A_14 = arith.muli %arg1, %mul3A_13 : i32
      %scan3A = arith.constant 0 : i32
      %scan3A_15 = arith.constant 0 : i32
      %scan3A_16 = arith.constant 125 : i32
      %scan3A_17 = arith.addi %scan3A_15, %scan3A_16 : i32
      %scan3A_18 = arith.constant 1 : i32
      scf.for %scan3A_26 = %scan3A_15 to %scan3A_17 step %scan3A_18  : i32 {
        %mul3A_27 = arith.constant 80 : i32
        %mul3A_28 = arith.muli %scan3A_26, %mul3A_27 : i32
        %add3A = arith.addi %mul3A_14, %mul3A_28 : i32
        "tpu.region"() ({
          %run_scoped3A = tpu.sem_alloc : memref<!tpu.dma_semaphore, #tpu.memory_space<semaphore_mem>>
          %dma_start3A_33 = tpu.memref_slice %arg4[%add3A] : memref<160000xi32, #tpu.memory_space<hbm>> -> memref<80xi32, #tpu.memory_space<hbm>>
          %dma_start3A_34 = tpu.memref_slice %arg4[%add3A] : memref<160000xi32, #tpu.memory_space<hbm>> -> memref<80xi32, #tpu.memory_space<hbm>>
          tpu.enqueue_dma source(%dma_start3A_34 : memref<80xi32, #tpu.memory_space<hbm>>) target(%arg8 : memref<80xi32, #tpu.memory_space<vmem>>) target_semaphore(%run_scoped3A : memref<!tpu.dma_semaphore, #tpu.memory_space<semaphore_mem>>)
          %dma_wait3A_35 = tpu.memref_slice %arg4[%add3A] : memref<160000xi32, #tpu.memory_space<hbm>> -> memref<80xi32, #tpu.memory_space<hbm>>
          %dma_wait3A_36 = tpu.memref_slice %arg4[%add3A] : memref<160000xi32, #tpu.memory_space<hbm>> -> memref<80xi32, #tpu.memory_space<hbm>>
          tpu.wait_dma2 semaphore(%run_scoped3A : memref<!tpu.dma_semaphore, #tpu.memory_space<semaphore_mem>>) src(%dma_wait3A_36 : memref<80xi32, #tpu.memory_space<hbm>>) dst(%arg8 : memref<80xi32, #tpu.memory_space<vmem>>)
          tpu.yield
        }) : () -> ()
        "tpu.region"() ({
          %run_scoped3A = tpu.sem_alloc : memref<!tpu.dma_semaphore, #tpu.memory_space<semaphore_mem>>
          %dma_start3A_33 = tpu.memref_slice %arg5[%add3A] : memref<160000xi32, #tpu.memory_space<hbm>> -> memref<80xi32, #tpu.memory_space<hbm>>
          %dma_start3A_34 = tpu.memref_slice %arg5[%add3A] : memref<160000xi32, #tpu.memory_space<hbm>> -> memref<80xi32, #tpu.memory_space<hbm>>
          tpu.enqueue_dma source(%dma_start3A_34 : memref<80xi32, #tpu.memory_space<hbm>>) target(%arg9 : memref<80xi32, #tpu.memory_space<vmem>>) target_semaphore(%run_scoped3A : memref<!tpu.dma_semaphore, #tpu.memory_space<semaphore_mem>>)
          %dma_wait3A_35 = tpu.memref_slice %arg5[%add3A] : memref<160000xi32, #tpu.memory_space<hbm>> -> memref<80xi32, #tpu.memory_space<hbm>>
          %dma_wait3A_36 = tpu.memref_slice %arg5[%add3A] : memref<160000xi32, #tpu.memory_space<hbm>> -> memref<80xi32, #tpu.memory_space<hbm>>
          tpu.wait_dma2 semaphore(%run_scoped3A : memref<!tpu.dma_semaphore, #tpu.memory_space<semaphore_mem>>) src(%dma_wait3A_36 : memref<80xi32, #tpu.memory_space<hbm>>) dst(%arg9 : memref<80xi32, #tpu.memory_space<vmem>>)
          tpu.yield
        }) : () -> ()
        %dma_start3A = arith.constant 0 : i32
        %dma_start3A_29 = arith.constant 0 : i32
        %dma_start3A_30 = tpu.memref_slice %arg2[%dma_start3A, %dma_start3A_29] : memref<10000x128xf32, #tpu.memory_space<hbm>> -> memref<10000x128xf32, #tpu.memory_space<hbm>>
        tpu.enqueue_indirect_dma source(%dma_start3A_30 : memref<10000x128xf32, #tpu.memory_space<hbm>>) target(%arg10 : memref<80x128xf32, #tpu.memory_space<vmem>>) offsets(%arg8 : memref<80xi32, #tpu.memory_space<vmem>>) semaphore(%arg12 : memref<!tpu.dma_semaphore, #tpu.memory_space<semaphore_mem>>)
        %dma_wait3A = arith.constant 0 : i32
        %dma_wait3A_31 = arith.constant 0 : i32
        %dma_wait3A_32 = tpu.memref_slice %arg2[%dma_wait3A, %dma_wait3A_31] : memref<10000x128xf32, #tpu.memory_space<hbm>> -> memref<10000x128xf32, #tpu.memory_space<hbm>>
        tpu.wait_indirect_dma semaphore(%arg12 : memref<!tpu.dma_semaphore, #tpu.memory_space<semaphore_mem>>) src(%dma_wait3A_32 : memref<10000x128xf32, #tpu.memory_space<hbm>>) dst(%arg10 : memref<80x128xf32, #tpu.memory_space<vmem>>)
        "tpu.region"() ({
          %run_scoped3A = tpu.sem_alloc : memref<!tpu.dma_semaphore, #tpu.memory_space<semaphore_mem>>
          %dma_start3A_33 = arith.constant 0 : i32
          %dma_start3A_34 = arith.constant 0 : i32
          %dma_start3A_35 = tpu.memref_slice %arg11[%dma_start3A_33, %dma_start3A_34] : memref<10000x128xf32, #tpu.memory_space<vmem_shared>> -> memref<10000x128xf32, #tpu.memory_space<vmem_shared>>
          tpu.enqueue_indirect_dma source(%arg10 : memref<80x128xf32, #tpu.memory_space<vmem>>) target(%dma_start3A_35 : memref<10000x128xf32, #tpu.memory_space<vmem_shared>>) offsets(%arg9 : memref<80xi32, #tpu.memory_space<vmem>>) semaphore(%run_scoped3A : memref<!tpu.dma_semaphore, #tpu.memory_space<semaphore_mem>>) {add = true}
          %dma_wait3A_36 = arith.constant 0 : i32
          %dma_wait3A_37 = arith.constant 0 : i32
          %dma_wait3A_38 = tpu.memref_slice %arg11[%dma_wait3A_36, %dma_wait3A_37] : memref<10000x128xf32, #tpu.memory_space<vmem_shared>> -> memref<10000x128xf32, #tpu.memory_space<vmem_shared>>
          tpu.wait_indirect_dma semaphore(%run_scoped3A : memref<!tpu.dma_semaphore, #tpu.memory_space<semaphore_mem>>) src(%arg10 : memref<80x128xf32, #tpu.memory_space<vmem>>) dst(%dma_wait3A_38 : memref<10000x128xf32, #tpu.memory_space<vmem_shared>>)
          tpu.yield
        }) : () -> ()
      }
      %scan3A_19 = arith.constant 125 : i32
      %barrier3A_20 = arith.constant 0 : index
      tpu.barrier barrier_id(%barrier3A_20)
      "tpu.region"() ({
        %run_scoped3A = tpu.sem_alloc : memref<!tpu.dma_semaphore, #tpu.memory_space<semaphore_mem>>
        %dma_start3A = arith.constant 0 : i32
        %dma_start3A_26 = tpu.memref_slice %arg6[%mul3A_7, %dma_start3A] : memref<10000x128xf32, #tpu.memory_space<hbm>> -> memref<624x128xf32, #tpu.memory_space<hbm>>
        %dma_start3A_27 = arith.constant 0 : i32
        %dma_start3A_28 = tpu.memref_slice %arg11[%mul3A_7, %dma_start3A_27] : memref<10000x128xf32, #tpu.memory_space<vmem_shared>> -> memref<624x128xf32, #tpu.memory_space<vmem_shared>>
        tpu.enqueue_dma source(%dma_start3A_28 : memref<624x128xf32, #tpu.memory_space<vmem_shared>>) target(%dma_start3A_26 : memref<624x128xf32, #tpu.memory_space<hbm>>) target_semaphore(%run_scoped3A : memref<!tpu.dma_semaphore, #tpu.memory_space<semaphore_mem>>)
        %dma_wait3A = arith.constant 0 : i32
        %dma_wait3A_29 = tpu.memref_slice %arg6[%mul3A_7, %dma_wait3A] : memref<10000x128xf32, #tpu.memory_space<hbm>> -> memref<624x128xf32, #tpu.memory_space<hbm>>
        %dma_wait3A_30 = arith.constant 0 : i32
        %dma_wait3A_31 = tpu.memref_slice %arg11[%mul3A_7, %dma_wait3A_30] : memref<10000x128xf32, #tpu.memory_space<vmem_shared>> -> memref<624x128xf32, #tpu.memory_space<vmem_shared>>
        tpu.wait_dma2 semaphore(%run_scoped3A : memref<!tpu.dma_semaphore, #tpu.memory_space<semaphore_mem>>) src(%dma_wait3A_31 : memref<624x128xf32, #tpu.memory_space<vmem_shared>>) dst(%dma_wait3A_29 : memref<624x128xf32, #tpu.memory_space<hbm>>)
        tpu.yield
      }) : () -> ()
      %eq3A_21 = arith.constant 15 : i32
      %eq3A_22 = arith.cmpi eq, %arg1, %eq3A_21 : i32
      %convert_element_type3A_23 = arith.extui %eq3A_22 : i1 to i32
      %cond3A_24 = arith.constant 0 : i32
      %cond3A_25 = arith.cmpi ne, %convert_element_type3A_23, %cond3A_24 : i32
      scf.if %cond3A_25 {
        "tpu.region"() ({
          %run_scoped3A = tpu.sem_alloc : memref<!tpu.dma_semaphore, #tpu.memory_space<semaphore_mem>>
          %dma_start3A = arith.constant 9984 : i32
          %dma_start3A_26 = arith.constant 0 : i32
          %dma_start3A_27 = tpu.memref_slice %arg6[%dma_start3A, %dma_start3A_26] : memref<10000x128xf32, #tpu.memory_space<hbm>> -> memref<16x128xf32, #tpu.memory_space<hbm>>
          %dma_start3A_28 = arith.constant 9984 : i32
          %dma_start3A_29 = arith.constant 0 : i32
          %dma_start3A_30 = tpu.memref_slice %arg11[%dma_start3A_28, %dma_start3A_29] : memref<10000x128xf32, #tpu.memory_space<vmem_shared>> -> memref<16x128xf32, #tpu.memory_space<vmem_shared>>
          tpu.enqueue_dma source(%dma_start3A_30 : memref<16x128xf32, #tpu.memory_space<vmem_shared>>) target(%dma_start3A_27 : memref<16x128xf32, #tpu.memory_space<hbm>>) target_semaphore(%run_scoped3A : memref<!tpu.dma_semaphore, #tpu.memory_space<semaphore_mem>>)
          %dma_wait3A = arith.constant 9984 : i32
          %dma_wait3A_31 = arith.constant 0 : i32
          %dma_wait3A_32 = tpu.memref_slice %arg6[%dma_wait3A, %dma_wait3A_31] : memref<10000x128xf32, #tpu.memory_space<hbm>> -> memref<16x128xf32, #tpu.memory_space<hbm>>
          %dma_wait3A_33 = arith.constant 9984 : i32
          %dma_wait3A_34 = arith.constant 0 : i32
          %dma_wait3A_35 = tpu.memref_slice %arg11[%dma_wait3A_33, %dma_wait3A_34] : memref<10000x128xf32, #tpu.memory_space<vmem_shared>> -> memref<16x128xf32, #tpu.memory_space<vmem_shared>>
          tpu.wait_dma2 semaphore(%run_scoped3A : memref<!tpu.dma_semaphore, #tpu.memory_space<semaphore_mem>>) src(%dma_wait3A_35 : memref<16x128xf32, #tpu.memory_space<vmem_shared>>) dst(%dma_wait3A_32 : memref<16x128xf32, #tpu.memory_space<hbm>>)
          tpu.yield
        }) : () -> ()
      } else {
      }
    } else {
    }
    %eq3A_2 = arith.constant 1 : i32
    %eq3A_3 = arith.cmpi eq, %arg0, %eq3A_2 : i32
    %convert_element_type3A_4 = arith.extui %eq3A_3 : i1 to i32
    %cond3A_5 = arith.constant 0 : i32
    %cond3A_6 = arith.cmpi ne, %convert_element_type3A_4, %cond3A_5 : i32
    scf.if %cond3A_6 {
      %mul3A = arith.constant 624 : i32
      %mul3A_7 = arith.muli %arg1, %mul3A : i32
      "tpu.region"() ({
        %run_scoped3A = tpu.sem_alloc : memref<!tpu.dma_semaphore, #tpu.memory_space<semaphore_mem>>
        %dma_start3A = arith.constant 0 : i32
        %dma_start3A_26 = tpu.memref_slice %arg11[%mul3A_7, %dma_start3A] : memref<10000x128xf32, #tpu.memory_space<vmem_shared>> -> memref<624x128xf32, #tpu.memory_space<vmem_shared>>
        %dma_start3A_27 = arith.constant 0 : i32
        %dma_start3A_28 = tpu.memref_slice %arg3[%mul3A_7, %dma_start3A_27] : memref<10000x128xf32, #tpu.memory_space<hbm>> -> memref<624x128xf32, #tpu.memory_space<hbm>>
        tpu.enqueue_dma source(%dma_start3A_28 : memref<624x128xf32, #tpu.memory_space<hbm>>) target(%dma_start3A_26 : memref<624x128xf32, #tpu.memory_space<vmem_shared>>) target_semaphore(%run_scoped3A : memref<!tpu.dma_semaphore, #tpu.memory_space<semaphore_mem>>)
        %dma_wait3A = arith.constant 0 : i32
        %dma_wait3A_29 = tpu.memref_slice %arg11[%mul3A_7, %dma_wait3A] : memref<10000x128xf32, #tpu.memory_space<vmem_shared>> -> memref<624x128xf32, #tpu.memory_space<vmem_shared>>
        %dma_wait3A_30 = arith.constant 0 : i32
        %dma_wait3A_31 = tpu.memref_slice %arg3[%mul3A_7, %dma_wait3A_30] : memref<10000x128xf32, #tpu.memory_space<hbm>> -> memref<624x128xf32, #tpu.memory_space<hbm>>
        tpu.wait_dma2 semaphore(%run_scoped3A : memref<!tpu.dma_semaphore, #tpu.memory_space<semaphore_mem>>) src(%dma_wait3A_31 : memref<624x128xf32, #tpu.memory_space<hbm>>) dst(%dma_wait3A_29 : memref<624x128xf32, #tpu.memory_space<vmem_shared>>)
        tpu.yield
      }) : () -> ()
      %eq3A_8 = arith.constant 15 : i32
      %eq3A_9 = arith.cmpi eq, %arg1, %eq3A_8 : i32
      %convert_element_type3A_10 = arith.extui %eq3A_9 : i1 to i32
      %cond3A_11 = arith.constant 0 : i32
      %cond3A_12 = arith.cmpi ne, %convert_element_type3A_10, %cond3A_11 : i32
      scf.if %cond3A_12 {
        "tpu.region"() ({
          %run_scoped3A = tpu.sem_alloc : memref<!tpu.dma_semaphore, #tpu.memory_space<semaphore_mem>>
          %dma_start3A = arith.constant 9984 : i32
          %dma_start3A_26 = arith.constant 0 : i32
          %dma_start3A_27 = tpu.memref_slice %arg11[%dma_start3A, %dma_start3A_26] : memref<10000x128xf32, #tpu.memory_space<vmem_shared>> -> memref<16x128xf32, #tpu.memory_space<vmem_shared>>
          %dma_start3A_28 = arith.constant 9984 : i32
          %dma_start3A_29 = arith.constant 0 : i32
          %dma_start3A_30 = tpu.memref_slice %arg3[%dma_start3A_28, %dma_start3A_29] : memref<10000x128xf32, #tpu.memory_space<hbm>> -> memref<16x128xf32, #tpu.memory_space<hbm>>
          tpu.enqueue_dma source(%dma_start3A_30 : memref<16x128xf32, #tpu.memory_space<hbm>>) target(%dma_start3A_27 : memref<16x128xf32, #tpu.memory_space<vmem_shared>>) target_semaphore(%run_scoped3A : memref<!tpu.dma_semaphore, #tpu.memory_space<semaphore_mem>>)
          %dma_wait3A = arith.constant 9984 : i32
          %dma_wait3A_31 = arith.constant 0 : i32
          %dma_wait3A_32 = tpu.memref_slice %arg11[%dma_wait3A, %dma_wait3A_31] : memref<10000x128xf32, #tpu.memory_space<vmem_shared>> -> memref<16x128xf32, #tpu.memory_space<vmem_shared>>
          %dma_wait3A_33 = arith.constant 9984 : i32
          %dma_wait3A_34 = arith.constant 0 : i32
          %dma_wait3A_35 = tpu.memref_slice %arg3[%dma_wait3A_33, %dma_wait3A_34] : memref<10000x128xf32, #tpu.memory_space<hbm>> -> memref<16x128xf32, #tpu.memory_space<hbm>>
          tpu.wait_dma2 semaphore(%run_scoped3A : memref<!tpu.dma_semaphore, #tpu.memory_space<semaphore_mem>>) src(%dma_wait3A_35 : memref<16x128xf32, #tpu.memory_space<hbm>>) dst(%dma_wait3A_32 : memref<16x128xf32, #tpu.memory_space<vmem_shared>>)
          tpu.yield
        }) : () -> ()
      } else {
      }
      %barrier3A = arith.constant 0 : index
      tpu.barrier barrier_id(%barrier3A)
      %mul3A_13 = arith.constant 10000 : i32
      %mul3A_14 = arith.muli %arg1, %mul3A_13 : i32
      %scan3A = arith.constant 0 : i32
      %scan3A_15 = arith.constant 0 : i32
      %scan3A_16 = arith.constant 125 : i32
      %scan3A_17 = arith.addi %scan3A_15, %scan3A_16 : i32
      %scan3A_18 = arith.constant 1 : i32
      scf.for %scan3A_26 = %scan3A_15 to %scan3A_17 step %scan3A_18  : i32 {
        %mul3A_27 = arith.constant 80 : i32
        %mul3A_28 = arith.muli %scan3A_26, %mul3A_27 : i32
        %add3A = arith.addi %mul3A_14, %mul3A_28 : i32
        "tpu.region"() ({
          %run_scoped3A = tpu.sem_alloc : memref<!tpu.dma_semaphore, #tpu.memory_space<semaphore_mem>>
          %dma_start3A_33 = tpu.memref_slice %arg4[%add3A] : memref<160000xi32, #tpu.memory_space<hbm>> -> memref<80xi32, #tpu.memory_space<hbm>>
          %dma_start3A_34 = tpu.memref_slice %arg4[%add3A] : memref<160000xi32, #tpu.memory_space<hbm>> -> memref<80xi32, #tpu.memory_space<hbm>>
          tpu.enqueue_dma source(%dma_start3A_34 : memref<80xi32, #tpu.memory_space<hbm>>) target(%arg8 : memref<80xi32, #tpu.memory_space<vmem>>) target_semaphore(%run_scoped3A : memref<!tpu.dma_semaphore, #tpu.memory_space<semaphore_mem>>)
          %dma_wait3A_35 = tpu.memref_slice %arg4[%add3A] : memref<160000xi32, #tpu.memory_space<hbm>> -> memref<80xi32, #tpu.memory_space<hbm>>
          %dma_wait3A_36 = tpu.memref_slice %arg4[%add3A] : memref<160000xi32, #tpu.memory_space<hbm>> -> memref<80xi32, #tpu.memory_space<hbm>>
          tpu.wait_dma2 semaphore(%run_scoped3A : memref<!tpu.dma_semaphore, #tpu.memory_space<semaphore_mem>>) src(%dma_wait3A_36 : memref<80xi32, #tpu.memory_space<hbm>>) dst(%arg8 : memref<80xi32, #tpu.memory_space<vmem>>)
          tpu.yield
        }) : () -> ()
        "tpu.region"() ({
          %run_scoped3A = tpu.sem_alloc : memref<!tpu.dma_semaphore, #tpu.memory_space<semaphore_mem>>
          %dma_start3A_33 = tpu.memref_slice %arg5[%add3A] : memref<160000xi32, #tpu.memory_space<hbm>> -> memref<80xi32, #tpu.memory_space<hbm>>
          %dma_start3A_34 = tpu.memref_slice %arg5[%add3A] : memref<160000xi32, #tpu.memory_space<hbm>> -> memref<80xi32, #tpu.memory_space<hbm>>
          tpu.enqueue_dma source(%dma_start3A_34 : memref<80xi32, #tpu.memory_space<hbm>>) target(%arg9 : memref<80xi32, #tpu.memory_space<vmem>>) target_semaphore(%run_scoped3A : memref<!tpu.dma_semaphore, #tpu.memory_space<semaphore_mem>>)
          %dma_wait3A_35 = tpu.memref_slice %arg5[%add3A] : memref<160000xi32, #tpu.memory_space<hbm>> -> memref<80xi32, #tpu.memory_space<hbm>>
          %dma_wait3A_36 = tpu.memref_slice %arg5[%add3A] : memref<160000xi32, #tpu.memory_space<hbm>> -> memref<80xi32, #tpu.memory_space<hbm>>
          tpu.wait_dma2 semaphore(%run_scoped3A : memref<!tpu.dma_semaphore, #tpu.memory_space<semaphore_mem>>) src(%dma_wait3A_36 : memref<80xi32, #tpu.memory_space<hbm>>) dst(%arg9 : memref<80xi32, #tpu.memory_space<vmem>>)
          tpu.yield
        }) : () -> ()
        %dma_start3A = arith.constant 0 : i32
        %dma_start3A_29 = arith.constant 0 : i32
        %dma_start3A_30 = tpu.memref_slice %arg3[%dma_start3A, %dma_start3A_29] : memref<10000x128xf32, #tpu.memory_space<hbm>> -> memref<10000x128xf32, #tpu.memory_space<hbm>>
        tpu.enqueue_indirect_dma source(%dma_start3A_30 : memref<10000x128xf32, #tpu.memory_space<hbm>>) target(%arg10 : memref<80x128xf32, #tpu.memory_space<vmem>>) offsets(%arg8 : memref<80xi32, #tpu.memory_space<vmem>>) semaphore(%arg12 : memref<!tpu.dma_semaphore, #tpu.memory_space<semaphore_mem>>)
        %dma_wait3A = arith.constant 0 : i32
        %dma_wait3A_31 = arith.constant 0 : i32
        %dma_wait3A_32 = tpu.memref_slice %arg3[%dma_wait3A, %dma_wait3A_31] : memref<10000x128xf32, #tpu.memory_space<hbm>> -> memref<10000x128xf32, #tpu.memory_space<hbm>>
        tpu.wait_indirect_dma semaphore(%arg12 : memref<!tpu.dma_semaphore, #tpu.memory_space<semaphore_mem>>) src(%dma_wait3A_32 : memref<10000x128xf32, #tpu.memory_space<hbm>>) dst(%arg10 : memref<80x128xf32, #tpu.memory_space<vmem>>)
        "tpu.region"() ({
          %run_scoped3A = tpu.sem_alloc : memref<!tpu.dma_semaphore, #tpu.memory_space<semaphore_mem>>
          %dma_start3A_33 = arith.constant 0 : i32
          %dma_start3A_34 = arith.constant 0 : i32
          %dma_start3A_35 = tpu.memref_slice %arg11[%dma_start3A_33, %dma_start3A_34] : memref<10000x128xf32, #tpu.memory_space<vmem_shared>> -> memref<10000x128xf32, #tpu.memory_space<vmem_shared>>
          tpu.enqueue_indirect_dma source(%arg10 : memref<80x128xf32, #tpu.memory_space<vmem>>) target(%dma_start3A_35 : memref<10000x128xf32, #tpu.memory_space<vmem_shared>>) offsets(%arg9 : memref<80xi32, #tpu.memory_space<vmem>>) semaphore(%run_scoped3A : memref<!tpu.dma_semaphore, #tpu.memory_space<semaphore_mem>>) {add = true}
          %dma_wait3A_36 = arith.constant 0 : i32
          %dma_wait3A_37 = arith.constant 0 : i32
          %dma_wait3A_38 = tpu.memref_slice %arg11[%dma_wait3A_36, %dma_wait3A_37] : memref<10000x128xf32, #tpu.memory_space<vmem_shared>> -> memref<10000x128xf32, #tpu.memory_space<vmem_shared>>
          tpu.wait_indirect_dma semaphore(%run_scoped3A : memref<!tpu.dma_semaphore, #tpu.memory_space<semaphore_mem>>) src(%arg10 : memref<80x128xf32, #tpu.memory_space<vmem>>) dst(%dma_wait3A_38 : memref<10000x128xf32, #tpu.memory_space<vmem_shared>>)
          tpu.yield
        }) : () -> ()
      }
      %scan3A_19 = arith.constant 125 : i32
      %barrier3A_20 = arith.constant 0 : index
      tpu.barrier barrier_id(%barrier3A_20)
      "tpu.region"() ({
        %run_scoped3A = tpu.sem_alloc : memref<!tpu.dma_semaphore, #tpu.memory_space<semaphore_mem>>
        %dma_start3A = arith.constant 0 : i32
        %dma_start3A_26 = tpu.memref_slice %arg7[%mul3A_7, %dma_start3A] : memref<10000x128xf32, #tpu.memory_space<hbm>> -> memref<624x128xf32, #tpu.memory_space<hbm>>
        %dma_start3A_27 = arith.constant 0 : i32
        %dma_start3A_28 = tpu.memref_slice %arg11[%mul3A_7, %dma_start3A_27] : memref<10000x128xf32, #tpu.memory_space<vmem_shared>> -> memref<624x128xf32, #tpu.memory_space<vmem_shared>>
        tpu.enqueue_dma source(%dma_start3A_28 : memref<624x128xf32, #tpu.memory_space<vmem_shared>>) target(%dma_start3A_26 : memref<624x128xf32, #tpu.memory_space<hbm>>) target_semaphore(%run_scoped3A : memref<!tpu.dma_semaphore, #tpu.memory_space<semaphore_mem>>)
        %dma_wait3A = arith.constant 0 : i32
        %dma_wait3A_29 = tpu.memref_slice %arg7[%mul3A_7, %dma_wait3A] : memref<10000x128xf32, #tpu.memory_space<hbm>> -> memref<624x128xf32, #tpu.memory_space<hbm>>
        %dma_wait3A_30 = arith.constant 0 : i32
        %dma_wait3A_31 = tpu.memref_slice %arg11[%mul3A_7, %dma_wait3A_30] : memref<10000x128xf32, #tpu.memory_space<vmem_shared>> -> memref<624x128xf32, #tpu.memory_space<vmem_shared>>
        tpu.wait_dma2 semaphore(%run_scoped3A : memref<!tpu.dma_semaphore, #tpu.memory_space<semaphore_mem>>) src(%dma_wait3A_31 : memref<624x128xf32, #tpu.memory_space<vmem_shared>>) dst(%dma_wait3A_29 : memref<624x128xf32, #tpu.memory_space<hbm>>)
        tpu.yield
      }) : () -> ()
      %eq3A_21 = arith.constant 15 : i32
      %eq3A_22 = arith.cmpi eq, %arg1, %eq3A_21 : i32
      %convert_element_type3A_23 = arith.extui %eq3A_22 : i1 to i32
      %cond3A_24 = arith.constant 0 : i32
      %cond3A_25 = arith.cmpi ne, %convert_element_type3A_23, %cond3A_24 : i32
      scf.if %cond3A_25 {
        "tpu.region"() ({
          %run_scoped3A = tpu.sem_alloc : memref<!tpu.dma_semaphore, #tpu.memory_space<semaphore_mem>>
          %dma_start3A = arith.constant 9984 : i32
          %dma_start3A_26 = arith.constant 0 : i32
          %dma_start3A_27 = tpu.memref_slice %arg7[%dma_start3A, %dma_start3A_26] : memref<10000x128xf32, #tpu.memory_space<hbm>> -> memref<16x128xf32, #tpu.memory_space<hbm>>
          %dma_start3A_28 = arith.constant 9984 : i32
          %dma_start3A_29 = arith.constant 0 : i32
          %dma_start3A_30 = tpu.memref_slice %arg11[%dma_start3A_28, %dma_start3A_29] : memref<10000x128xf32, #tpu.memory_space<vmem_shared>> -> memref<16x128xf32, #tpu.memory_space<vmem_shared>>
          tpu.enqueue_dma source(%dma_start3A_30 : memref<16x128xf32, #tpu.memory_space<vmem_shared>>) target(%dma_start3A_27 : memref<16x128xf32, #tpu.memory_space<hbm>>) target_semaphore(%run_scoped3A : memref<!tpu.dma_semaphore, #tpu.memory_space<semaphore_mem>>)
          %dma_wait3A = arith.constant 9984 : i32
          %dma_wait3A_31 = arith.constant 0 : i32
          %dma_wait3A_32 = tpu.memref_slice %arg7[%dma_wait3A, %dma_wait3A_31] : memref<10000x128xf32, #tpu.memory_space<hbm>> -> memref<16x128xf32, #tpu.memory_space<hbm>>
          %dma_wait3A_33 = arith.constant 9984 : i32
          %dma_wait3A_34 = arith.constant 0 : i32
          %dma_wait3A_35 = tpu.memref_slice %arg11[%dma_wait3A_33, %dma_wait3A_34] : memref<10000x128xf32, #tpu.memory_space<vmem_shared>> -> memref<16x128xf32, #tpu.memory_space<vmem_shared>>
          tpu.wait_dma2 semaphore(%run_scoped3A : memref<!tpu.dma_semaphore, #tpu.memory_space<semaphore_mem>>) src(%dma_wait3A_35 : memref<16x128xf32, #tpu.memory_space<vmem_shared>>) dst(%dma_wait3A_32 : memref<16x128xf32, #tpu.memory_space<hbm>>)
          tpu.yield
        }) : () -> ()
      } else {
      }
    } else {
    }
    return
  }
}

module attributes {stable_mosaic.version = 14 : i64} {
  func.func @_softmax_body(%arg0: i32, %arg1: memref<1000x128xf32, #tpu.memory_space<vmem>>, %arg2: memref<1000x128xf32, #tpu.memory_space<vmem>>, %arg3: memref<1x256xf32, #tpu.memory_space<vmem>>, %arg4: memref<1000x256xf32, #tpu.memory_space<vmem>>) attributes {dimension_semantics = [#tpu.dimension_semantics<arbitrary>], iteration_bounds = array<i64: 10>, scalar_prefetch = 0 : i64, scratch_operands = 0 : i64, tpu.core_type = #tpu.core_type<tc>, window_params = [{transform_indices = @transform_0, window_bounds = array<i64: 1000, 128>}, {transform_indices = @transform_1, window_bounds = array<i64: 1000, 128>}, {pipeline_mode = #tpu.pipeline_mode<synchronous>, transform_indices = @transform_2, window_bounds = array<i64: 1, 256>}, {transform_indices = @transform_3, window_bounds = array<i64: 1000, 256>}]} {
    %get3A = arith.constant 0 : index
    %get3A_0 = arith.constant 0 : index
    %get3A_1 = vector.load %arg1[%get3A, %get3A_0] : memref<1000x128xf32, #tpu.memory_space<vmem>>, vector<1000x128xf32>
    %get3A_2 = arith.constant 0 : index
    %get3A_3 = arith.constant 0 : index
    %get3A_4 = vector.load %arg2[%get3A_2, %get3A_3] : memref<1000x128xf32, #tpu.memory_space<vmem>>, vector<1000x128xf32>
    %concatenate3A = tpu.concatenate %get3A_1, %get3A_4 in 1 : vector<1000x128xf32>, vector<1000x128xf32> -> vector<1000x256xf32>
    %get3A_5 = arith.constant 0 : index
    %get3A_6 = arith.constant 0 : index
    %get3A_7 = vector.load %arg3[%get3A_5, %get3A_6] : memref<1x256xf32, #tpu.memory_space<vmem>>, vector<1x256xf32>
    %add3A = vector.broadcast %get3A_7 : vector<1x256xf32> to vector<1000x256xf32>
    %add3A_8 = arith.addf %concatenate3A, %add3A : vector<1000x256xf32>
    %reduce_max3A = arith.constant dense<0xFF800000> : vector<1000xf32>
    %reduce_max3A_9 = vector.multi_reduction <maximumf>, %add3A_8, %reduce_max3A [1] : vector<1000x256xf32> to vector<1000xf32>
    %broadcast_in_dim3A = vector.shape_cast %reduce_max3A_9 : vector<1000xf32> to vector<1000x1xf32>
    %sub3A = vector.broadcast %broadcast_in_dim3A : vector<1000x1xf32> to vector<1000x256xf32>
    %sub3A_10 = arith.subf %add3A_8, %sub3A : vector<1000x256xf32>
    %exp3A = math.exp %sub3A_10 : vector<1000x256xf32>
    %reduce_sum3A = arith.constant dense<0.000000e+00> : vector<1000xf32>
    %reduce_sum3A_11 = vector.multi_reduction <add>, %exp3A, %reduce_sum3A [1] : vector<1000x256xf32> to vector<1000xf32>
    %broadcast_in_dim3A_12 = vector.shape_cast %reduce_sum3A_11 : vector<1000xf32> to vector<1000x1xf32>
    %sub3A_13 = vector.broadcast %broadcast_in_dim3A : vector<1000x1xf32> to vector<1000x256xf32>
    %sub3A_14 = arith.subf %add3A_8, %sub3A_13 : vector<1000x256xf32>
    %log3A = math.log %broadcast_in_dim3A_12 : vector<1000x1xf32>
    %sub3A_15 = vector.broadcast %log3A : vector<1000x1xf32> to vector<1000x256xf32>
    %sub3A_16 = arith.subf %sub3A_14, %sub3A_15 : vector<1000x256xf32>
    %swap3A = arith.constant 0 : index
    %swap3A_17 = arith.constant 0 : index
    %swap3A_18 = vector.load %arg4[%swap3A, %swap3A_17] : memref<1000x256xf32, #tpu.memory_space<vmem>>, vector<1000x256xf32>
    tpu.vector_store %arg4[%swap3A, %swap3A_17], %sub3A_16 {strides = array<i32>} : memref<1000x256xf32, #tpu.memory_space<vmem>>, vector<1000x256xf32>,
    return
  }
  func.func @transform_0(%arg0: i32) -> (i32, i32) {
    %c0_i32 = arith.constant 0 : i32
    %c0_i32_0 = arith.constant 0 : i32
    return %arg0, %c0_i32 : i32, i32
  }
  func.func @transform_1(%arg0: i32) -> (i32, i32) {
    %c0_i32 = arith.constant 0 : i32
    %c0_i32_0 = arith.constant 0 : i32
    return %arg0, %c0_i32 : i32, i32
  }
  func.func @transform_2(%arg0: i32) -> (i32, i32) {
    %c0_i32 = arith.constant 0 : i32
    %c0_i32_0 = arith.constant 0 : i32
    %c0_i32_1 = arith.constant 0 : i32
    return %c0_i32, %c0_i32_0 : i32, i32
  }
  func.func @transform_3(%arg0: i32) -> (i32, i32) {
    %c0_i32 = arith.constant 0 : i32
    %c0_i32_0 = arith.constant 0 : i32
    return %arg0, %c0_i32 : i32, i32
  }
}

module attributes {stable_mosaic.version = 14 : i64} {
  func.func @_mm_body(%arg0: i32, %arg1: memref<1000x128xf32, #tpu.memory_space<vmem>>, %arg2: memref<1000x128xf32, #tpu.memory_space<vmem>>, %arg3: memref<256x512xf32, #tpu.memory_space<vmem>>, %arg4: memref<1x512xf32, #tpu.memory_space<vmem>>, %arg5: memref<512x256xf32, #tpu.memory_space<vmem>>, %arg6: memref<1000x128xf32, #tpu.memory_space<vmem>>, %arg7: memref<1000x128xf32, #tpu.memory_space<vmem>>) attributes {dimension_semantics = [#tpu.dimension_semantics<arbitrary>], iteration_bounds = array<i64: 10>, scalar_prefetch = 0 : i64, scratch_operands = 0 : i64, tpu.core_type = #tpu.core_type<tc>, window_params = [{transform_indices = @transform_0, window_bounds = array<i64: 1000, 128>}, {transform_indices = @transform_1, window_bounds = array<i64: 1000, 128>}, {pipeline_mode = #tpu.pipeline_mode<synchronous>, transform_indices = @transform_2, window_bounds = array<i64: 256, 512>}, {pipeline_mode = #tpu.pipeline_mode<synchronous>, transform_indices = @transform_3, window_bounds = array<i64: 1, 512>}, {pipeline_mode = #tpu.pipeline_mode<synchronous>, transform_indices = @transform_4, window_bounds = array<i64: 512, 256>}, {transform_indices = @transform_5, window_bounds = array<i64: 1000, 128>}, {transform_indices = @transform_6, window_bounds = array<i64: 1000, 128>}]} {
    %get3A = arith.constant 0 : index
    %get3A_0 = arith.constant 0 : index
    %get3A_1 = vector.load %arg1[%get3A, %get3A_0] : memref<1000x128xf32, #tpu.memory_space<vmem>>, vector<1000x128xf32>
    %get3A_2 = arith.constant 0 : index
    %get3A_3 = arith.constant 0 : index
    %get3A_4 = vector.load %arg2[%get3A_2, %get3A_3] : memref<1000x128xf32, #tpu.memory_space<vmem>>, vector<1000x128xf32>
    %concatenate3A = tpu.concatenate %get3A_1, %get3A_4 in 1 : vector<1000x128xf32>, vector<1000x128xf32> -> vector<1000x256xf32>
    %get3A_5 = arith.constant 0 : index
    %get3A_6 = arith.constant 0 : index
    %get3A_7 = vector.load %arg3[%get3A_5, %get3A_6] : memref<256x512xf32, #tpu.memory_space<vmem>>, vector<256x512xf32>
    %dot_general3A = arith.constant dense<0.000000e+00> : vector<1000x512xf32>
    %dot_general3A_8 = tpu.matmul %concatenate3A, %get3A_7, %dot_general3A {dimension_numbers = #tpu.dot_dimension_numbers<[1], [0], [0], [1], [0, 0, 1, 1], [], []>, transpose_lhs_hint = false} : vector<1000x256xf32>, vector<256x512xf32>, vector<1000x512xf32> -> vector<1000x512xf32>
    %get3A_9 = arith.constant 0 : index
    %get3A_10 = arith.constant 0 : index
    %get3A_11 = vector.load %arg4[%get3A_9, %get3A_10] : memref<1x512xf32, #tpu.memory_space<vmem>>, vector<1x512xf32>
    %add3A = vector.broadcast %get3A_11 : vector<1x512xf32> to vector<1000x512xf32>
    %add3A_12 = arith.addf %dot_general3A_8, %add3A : vector<1000x512xf32>
    %max3A = arith.constant 0.000000e+00 : f32
    %max3A_13 = vector.broadcast %max3A : f32 to vector<1000x512xf32>
    %max3A_14 = arith.maximumf %add3A_12, %max3A_13 : vector<1000x512xf32>
    %get3A_15 = arith.constant 0 : index
    %get3A_16 = arith.constant 0 : index
    %get3A_17 = vector.load %arg5[%get3A_15, %get3A_16] : memref<512x256xf32, #tpu.memory_space<vmem>>, vector<512x256xf32>
    %dot_general3A_18 = arith.constant dense<0.000000e+00> : vector<1000x256xf32>
    %dot_general3A_19 = tpu.matmul %max3A_14, %get3A_17, %dot_general3A_18 {dimension_numbers = #tpu.dot_dimension_numbers<[1], [0], [0], [1], [0, 0, 1, 1], [], []>, transpose_lhs_hint = false} : vector<1000x512xf32>, vector<512x256xf32>, vector<1000x256xf32> -> vector<1000x256xf32>
    %slice3A = vector.extract_strided_slice %dot_general3A_19 {offsets = [0, 0], sizes = [1000, 128], strides = [1, 1]} : vector<1000x256xf32> to vector<1000x128xf32>
    %swap3A = arith.constant 0 : index
    %swap3A_20 = arith.constant 0 : index
    %swap3A_21 = vector.load %arg6[%swap3A, %swap3A_20] : memref<1000x128xf32, #tpu.memory_space<vmem>>, vector<1000x128xf32>
    tpu.vector_store %arg6[%swap3A, %swap3A_20], %slice3A {strides = array<i32>} : memref<1000x128xf32, #tpu.memory_space<vmem>>, vector<1000x128xf32>,
    %slice3A_22 = vector.extract_strided_slice %dot_general3A_19 {offsets = [0, 128], sizes = [1000, 128], strides = [1, 1]} : vector<1000x256xf32> to vector<1000x128xf32>
    %swap3A_23 = arith.constant 0 : index
    %swap3A_24 = arith.constant 0 : index
    %swap3A_25 = vector.load %arg7[%swap3A_23, %swap3A_24] : memref<1000x128xf32, #tpu.memory_space<vmem>>, vector<1000x128xf32>
    tpu.vector_store %arg7[%swap3A_23, %swap3A_24], %slice3A_22 {strides = array<i32>} : memref<1000x128xf32, #tpu.memory_space<vmem>>, vector<1000x128xf32>,
    return
  }
  func.func @transform_0(%arg0: i32) -> (i32, i32) {
    %c0_i32 = arith.constant 0 : i32
    %c0_i32_0 = arith.constant 0 : i32
    return %arg0, %c0_i32 : i32, i32
  }
  func.func @transform_1(%arg0: i32) -> (i32, i32) {
    %c0_i32 = arith.constant 0 : i32
    %c0_i32_0 = arith.constant 0 : i32
    return %arg0, %c0_i32 : i32, i32
  }
  func.func @transform_2(%arg0: i32) -> (i32, i32) {
    %c0_i32 = arith.constant 0 : i32
    %c0_i32_0 = arith.constant 0 : i32
    %c0_i32_1 = arith.constant 0 : i32
    return %c0_i32, %c0_i32_0 : i32, i32
  }
  func.func @transform_3(%arg0: i32) -> (i32, i32) {
    %c0_i32 = arith.constant 0 : i32
    %c0_i32_0 = arith.constant 0 : i32
    %c0_i32_1 = arith.constant 0 : i32
    return %c0_i32, %c0_i32_0 : i32, i32
  }
  func.func @transform_4(%arg0: i32) -> (i32, i32) {
    %c0_i32 = arith.constant 0 : i32
    %c0_i32_0 = arith.constant 0 : i32
    %c0_i32_1 = arith.constant 0 : i32
    return %c0_i32, %c0_i32_0 : i32, i32
  }
  func.func @transform_5(%arg0: i32) -> (i32, i32) {
    %c0_i32 = arith.constant 0 : i32
    %c0_i32_0 = arith.constant 0 : i32
    return %arg0, %c0_i32 : i32, i32
  }
  func.func @transform_6(%arg0: i32) -> (i32, i32) {
    %c0_i32 = arith.constant 0 : i32
    %c0_i32_0 = arith.constant 0 : i32
    return %arg0, %c0_i32 : i32, i32
  }
}

</mosaic_0001>

<sc_bundles>
// kernel: gin_seg_sum.4.cloned.1.call-start
scs
__scs_entry_jumppad:
0x0: {  	(pc) =	sbr.rel $0x88, $3  }
0x1: {  	(tag) =	ssettag $0x0;
	lr =	simm.s32 $0x1  }
0x2: {  	[smem:$0x3F9B] =	sst lr;
	_ =	strace $0xD0000000  }
0x3: {  	_ = 	snop  }
0x4: {  	_ = 	snop  }
0x5: {  	_ = 	snop  }
0x6: {  	_ = 	snop  }
0x7: {  	_ = 	snop  }
__scs_overlays_trampoline_lowered:
0x8: {  	[smem:$0x3FAA] =	sst s0  }
0x9: {  	[smem:$0x3FAB] =	sst s1  }
0xa: {  	[smem:$0x3FAC] =	sst s2  }
0xb: {  	[smem:$0x3FAD] =	sst s3  }
0xc: {  	[smem:$0x3FAE] =	sst s4  }
0xd: {  	[smem:$0x3FAF] =	sst s5  }
0xe: {  	[smem:$0x3FB0] =	sst s6  }
0xf: {  	[smem:$0x3FB1] =	sst s7  }
0x10: {  	[smem:$0x3FB2] =	sst s8  }
0x11: {  	[smem:$0x3FB3] =	sst s9;
	s0 =	simm.s32 @!p0 $0x0  }
0x12: {  	s1 =	sld [smem:$0x3F99];
	s0 =	simm.s32 @p0 $0x1  }
0x13: {  	[smem:$0x3FB4] =	sst s0;
	s0 =	simm.s32 @!p1 $0x0  }
0x14: {  	s2 =	sld [smem:$0x3F98];
	s0 =	simm.s32 @p1 $0x1  }
0x15: {  	[smem:$0x3FB5] =	sst s0;
	s0 =	simm.s32 @!p2 $0x0  }
0x16: {  	s3 =	sld [smem:$0x3FDB];
	s0 =	simm.s32 @p2 $0x1  }
0x17: {  	s4 =	simm.s32 $0x1BF5;
	[smem:$0x3FB7] =	sst s0  }
0x18: {  	s0 =	sld [smem:$0x3F9A];
	_ =	swait.ge [sflag:s4], $0x0  }
0x19: {  	s7 =	sld [smem:$0x3F9B]  }
0x1a: {  	s8 =	sadd.s32 $0xFFFFE003, lr  }
0x1b: {  	s9 =	sadd.s32 $0xFFFFFEF7, lr;
	s5 =	simm.s32 $0xFFFFFFFF;
	p2 =	slt.u32 s8, $0xFFFFF086  }
0x1c: {  	p1 =	slt.u32 s9, $0xF7A;
	s5 =	simm.s32 @!p2 $0x0  }
0x1d: {  	s5 =	simm.s32 @p1 $0x1;
	p0 =	seq.s32 s7, s2  }
0x1e: {  	s7 =	smul.u32 @!p0 $0xF7A, s2;
	p2 =	seq.s32 @!p0 s5, $0x0  }
0x1f: {  	s9 =	smul.u32 $0xF7A, s1;
	s8 =	simm.s32 @!p0 $0x1BF5;
	p2 =	por !p2, p0  }
0x20: {  	[sflag:s8] =	ssyncset.s32 @!p0 $0xFFFFF086;
	s6 =	sadd.s32 @!p0 s3, s7;
	s7 =	simm.s32 @!p0 $0x108  }
0x21: {  	s3 =	sadd.s32 s3, s9;
	s6 =	sadd.s32 @!p0 $0x88, s6;
	s7 =	simm.s32 @p2 $0x1082  }
0x22: {  	[simem:s7], [sflag:s8] =	dma.local @!p0 [hbm:s6], $0xF7A  }
0x23: {  	s9 =	sor.u32 $0xD0000000, s2;
	s6 =	simm.s32 $0x108;
	_ =	swait.ge @!p0 [sflag:s8], $0x0  }
0x24: {  	s3 =	sadd.s32 $0x88, s3;
	s6 =	simm.s32 @!p1 $0x1082;
	[sflag:s4] =	ssyncset.s32 $0xFFFFF086  }
0x25: {  	[simem:s6], [sflag:s4] =	dma.local [hbm:s3], $0xF7A  }
0x26: {  	[smem:$0x3F9B] =	sst s1;
	(tag) =	ssettag s2;
	_ =	strace s9  }
0x27: {  	s1 =	sld [smem:$0x3FAB]  }
0x28: {  	s2 =	sld [smem:$0x3FAC]  }
0x29: {  	s4 =	sld [smem:$0x3FAE]  }
0x2a: {  	p0 =	seq.s32 s5, $0x0;
	s5 =	sld [smem:$0x3FAF]  }
0x2b: {  	s6 =	sld [smem:$0x3FB0]  }
0x2c: {  	s7 =	sld [smem:$0x3FB1]  }
0x2d: {  	s3 =	simm.s32 $0x108;
	s8 =	sld [smem:$0x3FB2]  }
0x2e: {  	s3 =	simm.s32 @!p0 $0x1082;
	s9 =	sld [smem:$0x3FB3]  }
0x2f: {  	lr =	sadd.s32 s0, s3;
	s0 =	sld [smem:$0x3FAA]  }
0x30: {  	s3 =	sld [smem:$0x3FAD]  }
0x31: {  	[smem:$0x3FB6] =	sst s10  }
0x32: {  	s10 =	sld [smem:$0x3FB4];
	_ =	sdelay $0x3  }
0x33: {  	p0 =	seq.s32 s10, $0x1;
	s10 =	sld [smem:$0x3FB6];
	_ =	sdelay $0x3  }
0x34: {  	[smem:$0x3FB6] =	sst s10  }
0x35: {  	s10 =	sld [smem:$0x3FB5];
	_ =	sdelay $0x3  }
0x36: {  	p1 =	seq.s32 s10, $0x1;
	s10 =	sld [smem:$0x3FB6];
	_ =	sdelay $0x3  }
0x37: {  	[smem:$0x3FB6] =	sst s10  }
0x38: {  	s10 =	sld [smem:$0x3FB7]  }
0x39: {  	_ = 	snop;
	(pc) =	sbr.ind lr, $3  }
0x3a: {  	_ = 	snop  }
0x3b: {  	_ = 	snop  }
0x3c: {  	p2 =	seq.s32 s10, $0x1;
	s10 =	sld [smem:$0x3FB6]  }
0x3d: {  	_ =	shalt  }
0x3e: {  	_ =	shalt  }
0x3f: {  	_ =	shalt  }
0x40: {  	_ =	shalt  }
0x41: {  	_ =	shalt  }
0x42: {  	_ =	shalt  }
0x43: {  	_ =	shalt  }
0x44: {  	_ =	shalt  }
0x45: {  	_ =	shalt  }
0x46: {  	_ =	shalt  }
0x47: {  	_ =	shalt  }
0x48: {  	_ =	shalt  }
0x49: {  	_ =	shalt  }
0x4a: {  	_ =	shalt  }
0x4b: {  	_ =	shalt  }
0x4c: {  	_ =	shalt  }
0x4d: {  	_ =	shalt  }
0x4e: {  	_ =	shalt  }
0x4f: {  	_ =	shalt  }
0x50: {  	_ =	shalt  }
0x51: {  	_ =	shalt  }
0x52: {  	_ =	shalt  }
0x53: {  	_ =	shalt  }
0x54: {  	_ =	shalt  }
0x55: {  	_ =	shalt  }
0x56: {  	_ =	shalt  }
0x57: {  	_ =	shalt  }
0x58: {  	_ =	shalt  }
0x59: {  	_ =	shalt  }
0x5a: {  	_ =	shalt  }
0x5b: {  	_ =	shalt  }
0x5c: {  	_ =	shalt  }
0x5d: {  	_ =	shalt  }
0x5e: {  	_ =	shalt  }
0x5f: {  	_ =	shalt  }
0x60: {  	_ =	shalt  }
0x61: {  	_ =	shalt  }
0x62: {  	_ =	shalt  }
0x63: {  	_ =	shalt  }
0x64: {  	_ =	shalt  }
0x65: {  	_ =	shalt  }
0x66: {  	_ =	shalt  }
0x67: {  	_ =	shalt  }
0x68: {  	_ =	shalt  }
0x69: {  	_ =	shalt  }
0x6a: {  	_ =	shalt  }
0x6b: {  	_ =	shalt  }
0x6c: {  	_ =	shalt  }
0x6d: {  	_ =	shalt  }
0x6e: {  	_ =	shalt  }
0x6f: {  	_ =	shalt  }
0x70: {  	_ =	shalt  }
0x71: {  	_ =	shalt  }
0x72: {  	_ =	shalt  }
0x73: {  	_ =	shalt  }
0x74: {  	_ =	shalt  }
0x75: {  	_ =	shalt  }
0x76: {  	_ =	shalt  }
0x77: {  	_ =	shalt  }
0x78: {  	_ =	shalt  }
0x79: {  	_ =	shalt  }
0x7a: {  	_ =	shalt  }
0x7b: {  	_ =	shalt  }
0x7c: {  	_ =	shalt  }
0x7d: {  	_ =	shalt  }
0x7e: {  	_ =	shalt  }
0x7f: {  	_ =	shalt  }
0x80: {  	_ =	shalt  }
0x81: {  	_ =	shalt  }
0x82: {  	_ =	shalt  }
0x83: {  	_ =	shalt  }
0x84: {  	_ =	shalt  }
0x85: {  	_ =	shalt  }
0x86: {  	_ =	shalt  }
0x87: {  	_ =	shalt  }
.Lfunc_end0:
.L_simem_size_0:
called_computation_lowered:
.L_overlay_start_0:
0x88: {  	s2 =	sld [smem:$0x3FD9]  }
0x89: {  	s3 =	sld [smem:$0x3FFE];
	_ =	sdelay $0x1  }
0x8a: {  	s1 =	srdreg.scid  }
0x8b: {  	s0 =	sand.u32 $0x1, s1  }
0x8c: {  	s17 =	sshll.u32 s0, $0xA;
	s2 =	sadd.s32 s3, s2  }
0x8d: {  	s2 =	sadd.s32 s2, s17  }
0x8e: {  	[smem:$0x3FC2] =	sst s2  }
0x8f: {  	_ = 	snop  }
0x90: {  	s2 =	sld [smem:$0x3FD0];
	(tm) =	ssettm $0x1  }
0x91: {  	s18 =	sld [smem:$0x3FFB];
	_ =	sdelay $0x3  }
0x92: {  	_ =	strace s18  }
0x93: {  	s3 =	sld [smem:$0x3FFC];
	_ =	sdelay $0x3  }
0x94: {  	_ =	strace s3  }
0x95: {  	s3 =	sld [smem:$0x3FFD];
	_ =	sdelay $0x3  }
0x96: {  	_ =	strace s3  }
0x97: {  	_ =	strace $0x8FFFFFFF  }
0x98: {  	s19 =	sld [smem:$0x3FDB];
	_ =	sdelay $0x1  }
0x99: {  	s4 =	simm.s32 $_scs_section_size  }
0x9a: {  	s5 =	simm.s32 $_size__tile_overlayer_lowered;
	s6 =	simm.s32 $_tile_overlayer_lowered  }
0x9b: {  	s22 =	simm.s32 $0x1BFF;
	s21 =	sshll.u32 s6, $0x1;
	s3 =	sadd.s32 s4, s19  }
0x9c: {  	s7 =	simm.s32 $0x0;
	s20 =	sshll.u32 s5, $0x1;
	s5 =	sadd.s32 s21, s3  }
0x9d: {  	[timem:s7], [sflag:s22] =	dma.local [hbm:s5], s20  }
0x9e: {  	_ =	swait.ge [sflag:s22], s20  }
0x9f: {  	s4 =	ssub.s32 $0x0, s20;
	[sflag:s22] =	ssyncset.done $0x0  }
0xa0: {  	[sflag:s22] =	ssyncadd.s32 s4;
	_ =	sdelay $0x1  }
0xa1: {  	s23 =	simm.s32 $0x1B8B  }
0xa2: {  	_ =	swait.ge [sflag:s23], $0x1  }
0xa3: {  	[sflag:s23] =	ssyncset.done $0x0  }
0xa4: {  	s25 =	simm.s32 $0x1B8E;
	s24 =	sld [smem:$0x3FFE];
	[sflag:s23] =	ssyncadd.s32 $0xFFFFFFFF  }
0xa5: {  	s26 =	simm.s32 $execute0_lowered;
	[smem:$0x3FD2] =	sst s25  }
0xa6: {  	s5 =	sshll.u32 s26, $0x1;
	_ =	strace $0x80000046;
	[dreg:$0x1] =	wrdreg $0xFFFFFFFF  }
0xa7: {  	s28 =	simm.s32 $_size_execute0_lowered;
	s3 =	sadd.s32 s3, s5;
	[dreg:$0x0] =	wrdreg $0x0  }
0xa8: {  	s5 =	sshll.u32 s28, $0x1;
	[dreg:$0x2] =	wrdreg s3  }
0xa9: {  	[dreg:$0x3] =	wrdreg s5  }
0xaa: {  	[dreg:$0x4] =	wrdreg $0xC0  }
0xab: {  	_ =	task [dreg:s7], $0x5FFFF  }
0xac: {  	[dreg:$0x1] =	wrdreg $0xFFFFFFFF  }
0xad: {  	[dreg:$0x0] =	wrdreg $0x60  }
0xae: {  	[dreg:$0x2] =	wrdreg s24  }
0xaf: {  	[dreg:$0x3] =	wrdreg s2  }
0xb0: {  	[dreg:$0x4] =	wrdreg $0x29000  }
0xb1: {  	[dreg:$0x5] =	wrdreg $0x9  }
0xb2: {  	_ =	task.clear_ibuf [dreg:s7], $0x6FFFF;
	_ =	strace $0x90000046  }
0xb3: {  	s29 =	simm.s32 $0x9;
	_ =	strace $0x80000048  }
0xb4: {  	_ =	swait.ge [sflag:s29], $0x1  }
0xb5: {  	[sflag:s29] =	ssyncadd.s32 $0xFFFFFFFF  }
0xb6: {  	_ =	strace $0x90000048  }
0xb7: {  	_ =	sfence  }
0xb8: {  	s30 =	sld [smem:$0x0];
	_ =	sdelay $0x2  }
0xb9: {  	s31 =	sshll.u32 s1, $0xD;
	s1 =	sshrl.u32 s1, $0x2  }
0xba: {  	s3 =	sand.u32 $0x4000, s31;
	s1 =	sadd.s32 s1, s30  }
0xbb: {  	s0 =	sor.u32 s3, s0;
	s1 =	sshll.u32 s1, $0x11  }
0xbc: {  	s0 =	sor.u32 s1, s0  }
0xbd: {  	s0 =	sadd.s32 $0x8F2B, s0  }
0xbe: {  	[sflag:s0] =	ssyncadd.remote.s32 $0x1  }
0xbf: {  	_ =	sfence.sel $0xFFFF  }
0xc0: {  	[dreg:$0x0] =	wrdreg $0xFFFFFFFF;
	(pc) =	sbr.abs _section_cstart, $3  }
0xc1: {  	[dreg:$0x1] =	wrdreg $0xFFFFFFFF  }
0xc2: {  	_ =	task.clear_ibuf [dreg:s7], $0x2FFFF;
	_ =	strace $0x9FFFFFFF  }
0xc3: {  	(tm) =	ssettm $0x7FFFFFFF  }
tec
execute0_lowered:
.L_overlay_start_1:
0x0: {  	(tag) =	ssettag $0x1  }
0x1: {  	s10 =	rddreg [dreg:$0x0]  }
0x2: {  	s1 =	rddreg [dreg:$0x1]  }
0x3: {  	s3 =	rddreg [dreg:$0x2];
	s4 =	simm.s32 $0x0  }
0x4: {  	s0 =	stileid.u32;
	s7 =	srdreg.scid;
	s21 =	simm.s32 $0x2  }
0x5: {  	s23 =	simm.s32 $0x80;
	s24 =	simm.s32 $0x50;
	s25 =	simm.s32 $0x100  }
0x6: {  	s26 =	simm.s32 $0x1;
	s28 =	simm.s32 $0x0;
	s6 =	smul.u32 $0x4E2, s0  }
0x7: {  	[smem:$0x7FF] =	sst s4;
	s5 =	sadd.s32 $0xC000, s10;
	s11 =	smul.u32 $0x4E000, s0  }
0x8: {  	s8 =	sand.u32 $0x1, s7;
	s14 =	smul.u32 $0x2700, s0;
	s7 =	sadd.s32 $0x5A400, s10  }
0x9: {  	s13 =	sadd.s32 $0x27000, s1;
	s17 =	sshll.u32 s0, $0x6;
	p1 =	sne.s32 s0, $0xF  }
0xa: {  	p2 =	seq.s32 s0, $0xF;
	_ =	strace $0x80000047;
	s9 =	ssub.s32 $0x2, s8  }
0xb: {  	p0 =	seq.s32 s8, $0x1;
	s19 =	sor.u32 $0x1C02, s17;
	s18 =	sadd.s32 s6, s10  }
0xc: {  	s6 =	sadd.s32 $0x33200, s10;
	s12 =	sshrl.u32 s9, $0x1;
	s31 =	sshrl.u32 s11, $0x2  }
.Ltmp0:
0xd: {  	s2 =	sadd.s32 s5, s14;
	s10 =	sadd.s32 $0x33000, s10;
	(pc) =	sbr.rel .LBB2_1-.Ltmp0, $4  }
0xe: {  	s15 =	ssub.s32 s9, s12;
	s20 =	sadd.s32 s31, s3;
	[dreg:$0x4] =	wrdreg s2  }
0xf: {  	s9 =	sadd.s32 $0x138000, s3;
	s11 =	sadd.s32 s6, s14;
	s12 =	sadd.s32 s1, s14  }
0x10: {  	s14 =	sadd.s32 s7, s14;
	s16 =	sadd.s32 $0x2000, s18;
	s18 =	sadd.s32 $0x7000, s18  }
0x11: {  	s15 =	smax.u32 s15, $0x1;
	s20 =	sshrl.u32 s20, $0x3;
	s22 =	sshrl.u32 @!p1 s9, $0x3  }
.LBB2_8:
0x12: {  	s0 =	sadd.s32 $0x27000, s30;
	s2 =	sshrl.u32 s9, $0x3  }
0x13: {  	[hbm:s0], [sflag:s29] =	dma.local [spmem:s2], $0x100  }
0x14: {  	_ =	swait.ge [sflag:s21], $0x100  }
0x15: {  	[sflag:s21] =	ssyncset.done $0x0  }
0x16: {  	[sflag:s21] =	ssyncadd.s32 $0xFFFFFF00  }
.LBB2_9:
0x17: {  	s28 =	sadd.s32 $0x1, s28  }
0x18: {  	p3 =	sne.s32 s28, s15  }
.Ltmp1:
0x19: {  	_ = 	snop;
	(pc) =	sbr.rel @!p3 .LBB2_10-.Ltmp1, $1  }
0x1a: {  	_ =	sdelay $0x3  }
.LBB2_1:
.Ltmp2:
0x1b: {  	(pc) =	sbr.rel @!p0 .LBB2_2-.Ltmp2, $1  }
0x1c: {  	_ =	sdelay $0x3  }
0x1d: {  	[spmem:s20], [sflag:s19] =	dma.local [hbm:s12], $0x2700  }
0x1e: {  	_ =	swait.ge [sflag:s21], $0x2700  }
0x1f: {  	[sflag:s21] =	ssyncset.done $0x0  }
0x20: {  	s0 =	simm.s32 @!p1 $0x2;
	[sflag:s21] =	ssyncadd.s32 $0xFFFFD900  }
0x21: {  	[spmem:s22], [sflag:s19] =	dma.local @!p1 [hbm:s13], $0x100  }
0x22: {  	_ =	swait.ge @!p1 [sflag:s0], $0x100  }
0x23: {  	[sflag:s0] =	ssyncset.done @!p1 $0x0  }
0x24: {  	[sflag:s0] =	ssyncadd.s32 @!p1 $0xFFFFFF00  }
0x25: {  	s8 =	sadd.s32 $0x0, s18;
	[bflag:$0x0] =	sbarrier.arrive $0xFFFF  }
0x26: {  	[tilespmem:s4], [sflag:$0x2] =	stream.linear.gather [hbm4b:s8+s4], $0x50, $0x38;
	[tilespmem:$0x16180] =	vst v63  }
0x27: {  	_ =	swait.ge [sflag:s21], $0x50  }
0x28: {  	[sflag:s21] =	ssyncset.done $0x0  }
0x29: {  	s31 =	sadd.s32 $0x0, s16;
	[sflag:s21] =	ssyncadd.s32 $0xFFFFFFB0  }
0x2a: {  	[tilespmem:s23], [sflag:$0x2] =	stream.linear.gather [hbm4b:s31+s4], $0x50, $0x38;
	[tilespmem:$0x16180] =	vst v63  }
0x2b: {  	_ =	swait.ge [sflag:s21], $0x50  }
0x2c: {  	[sflag:s21] =	ssyncset.done $0x0  }
0x2d: {  	[sflag:s21] =	ssyncadd.s32 $0xFFFFFFB0  }
0x2e: {  	[tilespmem:s25], [sflag:$0x1] =	stream.indirect.gather [hbm4b:s1+s24], $0x80, s4, s24, $0xb8;
	[tilespmem:$0x16180] =	vst v63  }
0x2f: {  	_ =	swait.ge [sflag:s26], $0x2800  }
0x30: {  	[sflag:s26] =	ssyncset.done $0x0  }
0x31: {  	[sflag:s26] =	ssyncadd.s32 $0xFFFFD800  }
0x32: {  	[spmem:s3] =	stream.indirect.scatter.add.f32 [tilespmem:s25], [sflag:$0x2], $0x80, s23, s24, $0xb8;
	[tilespmem:$0x16180] =	vst v63  }
0x33: {  	_ =	swait.ge [sflag:s21], $0x2800  }
0x34: {  	s29 =	simm.s32 $0xA;
	s30 =	simm.s32 $0x14;
	[sflag:s21] =	ssyncset.done $0x0  }
.LBB2_6:
0x35: {  	s0 =	sadd.s32 s29, s18  }
0x36: {  	[sflag:s21] =	ssyncadd.s32 $0xFFFFD800;
	s2 =	smov.u32 s30;
	s8 =	sadd.s32 $0xA, s30  }
0x37: {  	[tilespmem:s4], [sflag:$0x2] =	stream.linear.gather [hbm4b:s0+s4], $0x50, $0x38;
	[tilespmem:$0x16180] =	vst v63  }
0x38: {  	p3 =	sne.s32 s30, $0x4D8;
	_ =	swait.ge [sflag:s21], $0x50  }
0x39: {  	[sflag:s21] =	ssyncset.done $0x0  }
0x3a: {  	s0 =	sadd.s32 s29, s16;
	s29 =	smov.u32 s2;
	[sflag:s21] =	ssyncadd.s32 $0xFFFFFFB0  }
0x3b: {  	[tilespmem:s23], [sflag:$0x2] =	stream.linear.gather [hbm4b:s0+s4], $0x50, $0x38;
	[tilespmem:$0x16180] =	vst v63  }
0x3c: {  	_ =	swait.ge [sflag:s21], $0x50  }
0x3d: {  	[sflag:s21] =	ssyncset.done $0x0  }
0x3e: {  	[sflag:s21] =	ssyncadd.s32 $0xFFFFFFB0  }
0x3f: {  	[tilespmem:s25], [sflag:$0x1] =	stream.indirect.gather [hbm4b:s1+s24], $0x80, s4, s24, $0xb8;
	[tilespmem:$0x16180] =	vst v63  }
0x40: {  	_ =	swait.ge [sflag:s26], $0x2800  }
.Ltmp3:
0x41: {  	[sflag:s26] =	ssyncset.done $0x0;
	(pc) =	sbr.rel @p3 .LBB2_6-.Ltmp3, $4  }
0x42: {  	[sflag:s26] =	ssyncadd.s32 $0xFFFFD800  }
0x43: {  	[spmem:s3] =	stream.indirect.scatter.add.f32 [tilespmem:s25], [sflag:$0x2], $0x80, s23, s24, $0xb8;
	[tilespmem:$0x16180] =	vst v63  }
0x44: {  	_ =	swait.ge [sflag:s21], $0x2800  }
0x45: {  	s30 =	smov.u32 s8;
	[sflag:s21] =	ssyncset.done $0x0  }
0x46: {  	s0 =	sadd.s32 s29, s18;
	[sflag:s21] =	ssyncadd.s32 $0xFFFFD800  }
0x47: {  	[tilespmem:s4], [sflag:$0x2] =	stream.linear.gather [hbm4b:s0+s4], $0x50, $0x38;
	[tilespmem:$0x16180] =	vst v63  }
0x48: {  	_ =	swait.ge [sflag:s21], $0x50  }
0x49: {  	[sflag:s21] =	ssyncset.done $0x0  }
0x4a: {  	s31 =	sadd.s32 s29, s16;
	[sflag:s21] =	ssyncadd.s32 $0xFFFFFFB0  }
0x4b: {  	[tilespmem:s23], [sflag:$0x2] =	stream.linear.gather [hbm4b:s31+s4], $0x50, $0x38;
	[tilespmem:$0x16180] =	vst v63  }
0x4c: {  	_ =	swait.ge [sflag:s21], $0x50  }
0x4d: {  	[sflag:s21] =	ssyncset.done $0x0  }
0x4e: {  	[sflag:s21] =	ssyncadd.s32 $0xFFFFFFB0  }
0x4f: {  	[tilespmem:s25], [sflag:$0x1] =	stream.indirect.gather [hbm4b:s1+s24], $0x80, s4, s24, $0xb8;
	[tilespmem:$0x16180] =	vst v63  }
0x50: {  	_ =	swait.ge [sflag:s26], $0x2800  }
0x51: {  	[sflag:s26] =	ssyncset.done $0x0  }
0x52: {  	[sflag:s26] =	ssyncadd.s32 $0xFFFFD800  }
0x53: {  	[spmem:s3] =	stream.indirect.scatter.add.f32 [tilespmem:s25], [sflag:$0x2], $0x80, s23, s24, $0xb8;
	[tilespmem:$0x16180] =	vst v63  }
0x54: {  	_ =	swait.ge [sflag:s21], $0x2800  }
0x55: {  	[sflag:s21] =	ssyncset.done $0x0  }
0x56: {  	[sflag:s21] =	ssyncadd.s32 $0xFFFFD800  }
0x57: {  	[bflag:$0x0] =	sbarrier.arrive $0xFFFF  }
0x58: {  	[hbm:s14], [sflag:s19] =	dma.local [spmem:s20], $0x2700  }
.Ltmp4:
0x59: {  	_ = 	snop;
	(pc) =	sbr.rel @p1 .LBB2_9-.Ltmp4, $4  }
.Ltmp5:
0x5a: {  	_ = 	snop;
	(pc) =	sbr.rel @!p1 .LBB2_8-.Ltmp5, $4  }
0x5b: {  	_ =	swait.ge [sflag:s21], $0x2700  }
0x5c: {  	[sflag:s21] =	ssyncset.done $0x0  }
0x5d: {  	s30 =	smov.u32 s7;
	s29 =	smov.u32 s19;
	[sflag:s21] =	ssyncadd.s32 $0xFFFFD900  }
0x5e: {  	_ = 	snop  }
.LBB2_2:
0x5f: {  	s29 =	sor.u32 $0x1C02, s17;
	s0 =	rddreg [dreg:$0x4]  }
0x60: {  	[spmem:s20], [sflag:s29] =	dma.local [hbm:s0], $0x2700  }
0x61: {  	_ =	swait.ge [sflag:s21], $0x2700  }
0x62: {  	[sflag:s21] =	ssyncset.done $0x0  }
0x63: {  	s30 =	simm.s32 @!p1 $0x2;
	[sflag:s21] =	ssyncadd.s32 $0xFFFFD900  }
0x64: {  	[spmem:s22], [sflag:s29] =	dma.local @!p1 [hbm:s10], $0x100  }
0x65: {  	_ =	swait.ge @!p1 [sflag:s30], $0x100  }
0x66: {  	[sflag:s30] =	ssyncset.done @!p1 $0x0  }
0x67: {  	[sflag:s30] =	ssyncadd.s32 @!p1 $0xFFFFFF00  }
0x68: {  	s30 =	sadd.s32 $0x0, s18;
	[bflag:$0x0] =	sbarrier.arrive $0xFFFF  }
0x69: {  	[tilespmem:s4], [sflag:$0x2] =	stream.linear.gather [hbm4b:s30+s4], $0x50, $0x38;
	[tilespmem:$0x16180] =	vst v63  }
0x6a: {  	_ =	swait.ge [sflag:s21], $0x50  }
0x6b: {  	[sflag:s21] =	ssyncset.done $0x0  }
0x6c: {  	s30 =	sadd.s32 $0x0, s16;
	[sflag:s21] =	ssyncadd.s32 $0xFFFFFFB0  }
0x6d: {  	[tilespmem:s23], [sflag:$0x2] =	stream.linear.gather [hbm4b:s30+s4], $0x50, $0x38;
	[tilespmem:$0x16180] =	vst v63  }
0x6e: {  	_ =	swait.ge [sflag:s21], $0x50  }
0x6f: {  	[sflag:s21] =	ssyncset.done $0x0  }
0x70: {  	[sflag:s21] =	ssyncadd.s32 $0xFFFFFFB0  }
0x71: {  	[tilespmem:s25], [sflag:$0x1] =	stream.indirect.gather [hbm4b:s5+s24], $0x80, s4, s24, $0xb8;
	[tilespmem:$0x16180] =	vst v63  }
0x72: {  	_ =	swait.ge [sflag:s26], $0x2800  }
0x73: {  	[sflag:s26] =	ssyncset.done $0x0  }
0x74: {  	[sflag:s26] =	ssyncadd.s32 $0xFFFFD800  }
0x75: {  	[spmem:s3] =	stream.indirect.scatter.add.f32 [tilespmem:s25], [sflag:$0x2], $0x80, s23, s24, $0xb8;
	[tilespmem:$0x16180] =	vst v63  }
0x76: {  	_ =	swait.ge [sflag:s21], $0x2800  }
0x77: {  	s31 =	simm.s32 $0x14;
	s30 =	simm.s32 $0xA;
	[sflag:s21] =	ssyncset.done $0x0  }
.LBB2_3:
0x78: {  	s0 =	sadd.s32 s30, s18  }
0x79: {  	[sflag:s21] =	ssyncadd.s32 $0xFFFFD800;
	s2 =	smov.u32 s31;
	s8 =	sadd.s32 $0xA, s31  }
0x7a: {  	[tilespmem:s4], [sflag:$0x2] =	stream.linear.gather [hbm4b:s0+s4], $0x50, $0x38;
	[tilespmem:$0x16180] =	vst v63  }
0x7b: {  	p3 =	sne.s32 s31, $0x4D8;
	_ =	swait.ge [sflag:s21], $0x50  }
0x7c: {  	[sflag:s21] =	ssyncset.done $0x0  }
0x7d: {  	s0 =	sadd.s32 s30, s16;
	s30 =	smov.u32 s2;
	[sflag:s21] =	ssyncadd.s32 $0xFFFFFFB0  }
0x7e: {  	[tilespmem:s23], [sflag:$0x2] =	stream.linear.gather [hbm4b:s0+s4], $0x50, $0x38;
	[tilespmem:$0x16180] =	vst v63  }
0x7f: {  	_ =	swait.ge [sflag:s21], $0x50  }
0x80: {  	[sflag:s21] =	ssyncset.done $0x0  }
0x81: {  	[sflag:s21] =	ssyncadd.s32 $0xFFFFFFB0  }
0x82: {  	[tilespmem:s25], [sflag:$0x1] =	stream.indirect.gather [hbm4b:s5+s24], $0x80, s4, s24, $0xb8;
	[tilespmem:$0x16180] =	vst v63  }
0x83: {  	_ =	swait.ge [sflag:s26], $0x2800  }
.Ltmp6:
0x84: {  	[sflag:s26] =	ssyncset.done $0x0;
	(pc) =	sbr.rel @p3 .LBB2_3-.Ltmp6, $4  }
0x85: {  	[sflag:s26] =	ssyncadd.s32 $0xFFFFD800  }
0x86: {  	[spmem:s3] =	stream.indirect.scatter.add.f32 [tilespmem:s25], [sflag:$0x2], $0x80, s23, s24, $0xb8;
	[tilespmem:$0x16180] =	vst v63  }
0x87: {  	_ =	swait.ge [sflag:s21], $0x2800  }
0x88: {  	s31 =	smov.u32 s8;
	[sflag:s21] =	ssyncset.done $0x0  }
0x89: {  	s0 =	sadd.s32 s30, s18;
	[sflag:s21] =	ssyncadd.s32 $0xFFFFD800  }
0x8a: {  	[tilespmem:s4], [sflag:$0x2] =	stream.linear.gather [hbm4b:s0+s4], $0x50, $0x38;
	[tilespmem:$0x16180] =	vst v63  }
0x8b: {  	_ =	swait.ge [sflag:s21], $0x50  }
0x8c: {  	[sflag:s21] =	ssyncset.done $0x0  }
0x8d: {  	s31 =	sadd.s32 s30, s16;
	[sflag:s21] =	ssyncadd.s32 $0xFFFFFFB0  }
0x8e: {  	[tilespmem:s23], [sflag:$0x2] =	stream.linear.gather [hbm4b:s31+s4], $0x50, $0x38;
	[tilespmem:$0x16180] =	vst v63  }
0x8f: {  	_ =	swait.ge [sflag:s21], $0x50  }
0x90: {  	[sflag:s21] =	ssyncset.done $0x0  }
0x91: {  	[sflag:s21] =	ssyncadd.s32 $0xFFFFFFB0  }
0x92: {  	[tilespmem:s25], [sflag:$0x1] =	stream.indirect.gather [hbm4b:s5+s24], $0x80, s4, s24, $0xb8;
	[tilespmem:$0x16180] =	vst v63  }
0x93: {  	_ =	swait.ge [sflag:s26], $0x2800  }
0x94: {  	[sflag:s26] =	ssyncset.done $0x0  }
0x95: {  	[sflag:s26] =	ssyncadd.s32 $0xFFFFD800  }
0x96: {  	[spmem:s3] =	stream.indirect.scatter.add.f32 [tilespmem:s25], [sflag:$0x2], $0x80, s23, s24, $0xb8;
	[tilespmem:$0x16180] =	vst v63  }
0x97: {  	_ =	swait.ge [sflag:s21], $0x2800  }
0x98: {  	[sflag:s21] =	ssyncset.done $0x0  }
0x99: {  	[sflag:s21] =	ssyncadd.s32 $0xFFFFD800  }
0x9a: {  	[bflag:$0x0] =	sbarrier.arrive $0xFFFF  }
0x9b: {  	[hbm:s11], [sflag:s29] =	dma.local [spmem:s20], $0x2700  }
.Ltmp7:
0x9c: {  	_ = 	snop;
	(pc) =	sbr.rel @p2 .LBB2_8-.Ltmp7, $4  }
.Ltmp8:
0x9d: {  	_ = 	snop;
	(pc) =	sbr.rel @!p2 .LBB2_9-.Ltmp8, $4  }
0x9e: {  	_ =	swait.ge [sflag:s21], $0x2700  }
0x9f: {  	[sflag:s21] =	ssyncset.done $0x0  }
0xa0: {  	s30 =	smov.u32 s6;
	[sflag:s21] =	ssyncadd.s32 $0xFFFFD900  }
0xa1: {  	_ = 	snop  }
.LBB2_10:
0xa2: {  	_ =	sfence.sel $0x180000  }
0xa3: {  	[bflag:$0x0] =	sbarrier.arrive $0xFFFF  }
0xa4: {  	_ =	strace $0x90000047  }
0xa5: {  	s0 =	stileid.u32;
	[bflag:$0x2] =	sbarrier.arrive $0xFFFF  }
0xa6: {  	p0 =	sne.s32 s0, $0x0;
	s0 =	rddreg [dreg:$0x3]  }
0xa7: {  	s0 =	sadd.s32 @!p0 $0x100000, s0  }
0xa8: {  	[sflag:s0] =	ssyncadd.tile.s32 @!p0 $0x1;
	_ =	shalt  }
.Lfunc_end2:
_tile_overlayer_lowered:
.L_overlay_start_2:
0xa9: {  	(tag) =	ssettag $0x2  }
0xaa: {  	s0 =	rddreg [dreg:$0x0];
	s2 =	stileid.u32  }
0xab: {  	s1 =	rddreg [dreg:$0x1];
	p0 =	sne.s32 s2, $0x0  }
0xac: {  	s3 =	rddreg [dreg:$0x2];
	[bflag:$0x3] =	sbarrier.arrive $0xFFFF;
	s2 =	simm.s32 @!p0 $0x1C02  }
0xad: {  	[timem:s3], [sflag:s2] =	dma.local @!p0 [hbm:s0], s1  }
0xae: {  	s0 =	simm.s32 @!p0 $0x2  }
0xaf: {  	_ =	swait.ge @!p0 [sflag:s0], s1  }
0xb0: {  	s1 =	ssub.s32 @!p0 $0x0, s1;
	[sflag:s0] =	ssyncset.done @!p0 $0x0  }
0xb1: {  	[sflag:s0] =	ssyncadd.s32 @!p0 s1  }
0xb2: {  	[bflag:$0x3] =	sbarrier.arrive $0xFFFF  }
0xb3: {  	_ =	shalt  }

// kernel: gin_seg_sum.7.cloned.1.call-start
scs
__scs_entry_jumppad:
0x0: {  	(pc) =	sbr.rel $0x88, $3  }
0x1: {  	(tag) =	ssettag $0x0;
	lr =	simm.s32 $0x1  }
0x2: {  	[smem:$0x3F9B] =	sst lr;
	_ =	strace $0xD0000000  }
0x3: {  	_ = 	snop  }
0x4: {  	_ = 	snop  }
0x5: {  	_ = 	snop  }
0x6: {  	_ = 	snop  }
0x7: {  	_ = 	snop  }
__scs_overlays_trampoline_lowered:
0x8: {  	[smem:$0x3FAA] =	sst s0  }
0x9: {  	[smem:$0x3FAB] =	sst s1  }
0xa: {  	[smem:$0x3FAC] =	sst s2  }
0xb: {  	[smem:$0x3FAD] =	sst s3  }
0xc: {  	[smem:$0x3FAE] =	sst s4  }
0xd: {  	[smem:$0x3FAF] =	sst s5  }
0xe: {  	[smem:$0x3FB0] =	sst s6  }
0xf: {  	[smem:$0x3FB1] =	sst s7  }
0x10: {  	[smem:$0x3FB2] =	sst s8  }
0x11: {  	[smem:$0x3FB3] =	sst s9;
	s0 =	simm.s32 @!p0 $0x0  }
0x12: {  	s1 =	sld [smem:$0x3F99];
	s0 =	simm.s32 @p0 $0x1  }
0x13: {  	[smem:$0x3FB4] =	sst s0;
	s0 =	simm.s32 @!p1 $0x0  }
0x14: {  	s2 =	sld [smem:$0x3F98];
	s0 =	simm.s32 @p1 $0x1  }
0x15: {  	[smem:$0x3FB5] =	sst s0;
	s0 =	simm.s32 @!p2 $0x0  }
0x16: {  	s3 =	sld [smem:$0x3FDB];
	s0 =	simm.s32 @p2 $0x1  }
0x17: {  	s4 =	simm.s32 $0x1BF5;
	[smem:$0x3FB7] =	sst s0  }
0x18: {  	s0 =	sld [smem:$0x3F9A];
	_ =	swait.ge [sflag:s4], $0x0  }
0x19: {  	s7 =	sld [smem:$0x3F9B]  }
0x1a: {  	s8 =	sadd.s32 $0xFFFFE003, lr  }
0x1b: {  	s9 =	sadd.s32 $0xFFFFFEF7, lr;
	s5 =	simm.s32 $0xFFFFFFFF;
	p2 =	slt.u32 s8, $0xFFFFF086  }
0x1c: {  	p1 =	slt.u32 s9, $0xF7A;
	s5 =	simm.s32 @!p2 $0x0  }
0x1d: {  	s5 =	simm.s32 @p1 $0x1;
	p0 =	seq.s32 s7, s2  }
0x1e: {  	s7 =	smul.u32 @!p0 $0xF7A, s2;
	p2 =	seq.s32 @!p0 s5, $0x0  }
0x1f: {  	s9 =	smul.u32 $0xF7A, s1;
	s8 =	simm.s32 @!p0 $0x1BF5;
	p2 =	por !p2, p0  }
0x20: {  	[sflag:s8] =	ssyncset.s32 @!p0 $0xFFFFF086;
	s6 =	sadd.s32 @!p0 s3, s7;
	s7 =	simm.s32 @!p0 $0x108  }
0x21: {  	s3 =	sadd.s32 s3, s9;
	s6 =	sadd.s32 @!p0 $0x88, s6;
	s7 =	simm.s32 @p2 $0x1082  }
0x22: {  	[simem:s7], [sflag:s8] =	dma.local @!p0 [hbm:s6], $0xF7A  }
0x23: {  	s9 =	sor.u32 $0xD0000000, s2;
	s6 =	simm.s32 $0x108;
	_ =	swait.ge @!p0 [sflag:s8], $0x0  }
0x24: {  	s3 =	sadd.s32 $0x88, s3;
	s6 =	simm.s32 @!p1 $0x1082;
	[sflag:s4] =	ssyncset.s32 $0xFFFFF086  }
0x25: {  	[simem:s6], [sflag:s4] =	dma.local [hbm:s3], $0xF7A  }
0x26: {  	[smem:$0x3F9B] =	sst s1;
	(tag) =	ssettag s2;
	_ =	strace s9  }
0x27: {  	s1 =	sld [smem:$0x3FAB]  }
0x28: {  	s2 =	sld [smem:$0x3FAC]  }
0x29: {  	s4 =	sld [smem:$0x3FAE]  }
0x2a: {  	p0 =	seq.s32 s5, $0x0;
	s5 =	sld [smem:$0x3FAF]  }
0x2b: {  	s6 =	sld [smem:$0x3FB0]  }
0x2c: {  	s7 =	sld [smem:$0x3FB1]  }
0x2d: {  	s3 =	simm.s32 $0x108;
	s8 =	sld [smem:$0x3FB2]  }
0x2e: {  	s3 =	simm.s32 @!p0 $0x1082;
	s9 =	sld [smem:$0x3FB3]  }
0x2f: {  	lr =	sadd.s32 s0, s3;
	s0 =	sld [smem:$0x3FAA]  }
0x30: {  	s3 =	sld [smem:$0x3FAD]  }
0x31: {  	[smem:$0x3FB6] =	sst s10  }
0x32: {  	s10 =	sld [smem:$0x3FB4];
	_ =	sdelay $0x3  }
0x33: {  	p0 =	seq.s32 s10, $0x1;
	s10 =	sld [smem:$0x3FB6];
	_ =	sdelay $0x3  }
0x34: {  	[smem:$0x3FB6] =	sst s10  }
0x35: {  	s10 =	sld [smem:$0x3FB5];
	_ =	sdelay $0x3  }
0x36: {  	p1 =	seq.s32 s10, $0x1;
	s10 =	sld [smem:$0x3FB6];
	_ =	sdelay $0x3  }
0x37: {  	[smem:$0x3FB6] =	sst s10  }
0x38: {  	s10 =	sld [smem:$0x3FB7]  }
0x39: {  	_ = 	snop;
	(pc) =	sbr.ind lr, $3  }
0x3a: {  	_ = 	snop  }
0x3b: {  	_ = 	snop  }
0x3c: {  	p2 =	seq.s32 s10, $0x1;
	s10 =	sld [smem:$0x3FB6]  }
0x3d: {  	_ =	shalt  }
0x3e: {  	_ =	shalt  }
0x3f: {  	_ =	shalt  }
0x40: {  	_ =	shalt  }
0x41: {  	_ =	shalt  }
0x42: {  	_ =	shalt  }
0x43: {  	_ =	shalt  }
0x44: {  	_ =	shalt  }
0x45: {  	_ =	shalt  }
0x46: {  	_ =	shalt  }
0x47: {  	_ =	shalt  }
0x48: {  	_ =	shalt  }
0x49: {  	_ =	shalt  }
0x4a: {  	_ =	shalt  }
0x4b: {  	_ =	shalt  }
0x4c: {  	_ =	shalt  }
0x4d: {  	_ =	shalt  }
0x4e: {  	_ =	shalt  }
0x4f: {  	_ =	shalt  }
0x50: {  	_ =	shalt  }
0x51: {  	_ =	shalt  }
0x52: {  	_ =	shalt  }
0x53: {  	_ =	shalt  }
0x54: {  	_ =	shalt  }
0x55: {  	_ =	shalt  }
0x56: {  	_ =	shalt  }
0x57: {  	_ =	shalt  }
0x58: {  	_ =	shalt  }
0x59: {  	_ =	shalt  }
0x5a: {  	_ =	shalt  }
0x5b: {  	_ =	shalt  }
0x5c: {  	_ =	shalt  }
0x5d: {  	_ =	shalt  }
0x5e: {  	_ =	shalt  }
0x5f: {  	_ =	shalt  }
0x60: {  	_ =	shalt  }
0x61: {  	_ =	shalt  }
0x62: {  	_ =	shalt  }
0x63: {  	_ =	shalt  }
0x64: {  	_ =	shalt  }
0x65: {  	_ =	shalt  }
0x66: {  	_ =	shalt  }
0x67: {  	_ =	shalt  }
0x68: {  	_ =	shalt  }
0x69: {  	_ =	shalt  }
0x6a: {  	_ =	shalt  }
0x6b: {  	_ =	shalt  }
0x6c: {  	_ =	shalt  }
0x6d: {  	_ =	shalt  }
0x6e: {  	_ =	shalt  }
0x6f: {  	_ =	shalt  }
0x70: {  	_ =	shalt  }
0x71: {  	_ =	shalt  }
0x72: {  	_ =	shalt  }
0x73: {  	_ =	shalt  }
0x74: {  	_ =	shalt  }
0x75: {  	_ =	shalt  }
0x76: {  	_ =	shalt  }
0x77: {  	_ =	shalt  }
0x78: {  	_ =	shalt  }
0x79: {  	_ =	shalt  }
0x7a: {  	_ =	shalt  }
0x7b: {  	_ =	shalt  }
0x7c: {  	_ =	shalt  }
0x7d: {  	_ =	shalt  }
0x7e: {  	_ =	shalt  }
0x7f: {  	_ =	shalt  }
0x80: {  	_ =	shalt  }
0x81: {  	_ =	shalt  }
0x82: {  	_ =	shalt  }
0x83: {  	_ =	shalt  }
0x84: {  	_ =	shalt  }
0x85: {  	_ =	shalt  }
0x86: {  	_ =	shalt  }
0x87: {  	_ =	shalt  }
.Lfunc_end0:
.L_simem_size_0:
called_computation.1_lowered:
.L_overlay_start_0:
0x88: {  	s2 =	sld [smem:$0x3FD9]  }
0x89: {  	s3 =	sld [smem:$0x3FFE];
	_ =	sdelay $0x1  }
0x8a: {  	s1 =	srdreg.scid  }
0x8b: {  	s0 =	sand.u32 $0x1, s1  }
0x8c: {  	s17 =	sshll.u32 s0, $0xA;
	s2 =	sadd.s32 s3, s2  }
0x8d: {  	s2 =	sadd.s32 s2, s17  }
0x8e: {  	[smem:$0x3FC2] =	sst s2  }
0x8f: {  	_ = 	snop  }
0x90: {  	s2 =	sld [smem:$0x3FD0];
	(tm) =	ssettm $0x1  }
0x91: {  	s18 =	sld [smem:$0x3FFB];
	_ =	sdelay $0x3  }
0x92: {  	_ =	strace s18  }
0x93: {  	s3 =	sld [smem:$0x3FFC];
	_ =	sdelay $0x3  }
0x94: {  	_ =	strace s3  }
0x95: {  	s3 =	sld [smem:$0x3FFD];
	_ =	sdelay $0x3  }
0x96: {  	_ =	strace s3  }
0x97: {  	_ =	strace $0x8FFFFFFF  }
0x98: {  	s19 =	sld [smem:$0x3FDB];
	_ =	sdelay $0x1  }
0x99: {  	s4 =	simm.s32 $_scs_section_size  }
0x9a: {  	s5 =	simm.s32 $_size__tile_overlayer_lowered;
	s6 =	simm.s32 $_tile_overlayer_lowered  }
0x9b: {  	s22 =	simm.s32 $0x1BFF;
	s21 =	sshll.u32 s6, $0x1;
	s3 =	sadd.s32 s4, s19  }
0x9c: {  	s7 =	simm.s32 $0x0;
	s20 =	sshll.u32 s5, $0x1;
	s5 =	sadd.s32 s21, s3  }
0x9d: {  	[timem:s7], [sflag:s22] =	dma.local [hbm:s5], s20  }
0x9e: {  	_ =	swait.ge [sflag:s22], s20  }
0x9f: {  	s4 =	ssub.s32 $0x0, s20;
	[sflag:s22] =	ssyncset.done $0x0  }
0xa0: {  	[sflag:s22] =	ssyncadd.s32 s4;
	_ =	sdelay $0x1  }
0xa1: {  	s23 =	simm.s32 $0x1B8B  }
0xa2: {  	_ =	swait.ge [sflag:s23], $0x1  }
0xa3: {  	[sflag:s23] =	ssyncset.done $0x0  }
0xa4: {  	s25 =	simm.s32 $0x1B8E;
	s24 =	sld [smem:$0x3FFE];
	[sflag:s23] =	ssyncadd.s32 $0xFFFFFFFF  }
0xa5: {  	s26 =	simm.s32 $execute0_lowered;
	[smem:$0x3FD2] =	sst s25  }
0xa6: {  	s5 =	sshll.u32 s26, $0x1;
	_ =	strace $0x80000049;
	[dreg:$0x1] =	wrdreg $0xFFFFFFFF  }
0xa7: {  	s28 =	simm.s32 $_size_execute0_lowered;
	s3 =	sadd.s32 s3, s5;
	[dreg:$0x0] =	wrdreg $0x0  }
0xa8: {  	s5 =	sshll.u32 s28, $0x1;
	[dreg:$0x2] =	wrdreg s3  }
0xa9: {  	[dreg:$0x3] =	wrdreg s5  }
0xaa: {  	[dreg:$0x4] =	wrdreg $0xC0  }
0xab: {  	_ =	task [dreg:s7], $0x5FFFF  }
0xac: {  	[dreg:$0x1] =	wrdreg $0xFFFFFFFF  }
0xad: {  	[dreg:$0x0] =	wrdreg $0x60  }
0xae: {  	[dreg:$0x2] =	wrdreg s2  }
0xaf: {  	[dreg:$0x3] =	wrdreg s24  }
0xb0: {  	[dreg:$0x4] =	wrdreg $0x29000  }
0xb1: {  	[dreg:$0x5] =	wrdreg $0x9  }
0xb2: {  	_ =	task.clear_ibuf [dreg:s7], $0x6FFFF;
	_ =	strace $0x90000049  }
0xb3: {  	s29 =	simm.s32 $0x9;
	_ =	strace $0x8000004B  }
0xb4: {  	_ =	swait.ge [sflag:s29], $0x1  }
0xb5: {  	[sflag:s29] =	ssyncadd.s32 $0xFFFFFFFF  }
0xb6: {  	_ =	strace $0x9000004B  }
0xb7: {  	_ =	sfence  }
0xb8: {  	s30 =	sld [smem:$0x0];
	_ =	sdelay $0x2  }
0xb9: {  	s31 =	sshll.u32 s1, $0xD;
	s1 =	sshrl.u32 s1, $0x2  }
0xba: {  	s3 =	sand.u32 $0x4000, s31;
	s1 =	sadd.s32 s1, s30  }
0xbb: {  	s0 =	sor.u32 s3, s0;
	s1 =	sshll.u32 s1, $0x11  }
0xbc: {  	s0 =	sor.u32 s1, s0  }
0xbd: {  	s0 =	sadd.s32 $0x8F2B, s0  }
0xbe: {  	[sflag:s0] =	ssyncadd.remote.s32 $0x1  }
0xbf: {  	_ =	sfence.sel $0xFFFF  }
0xc0: {  	[dreg:$0x0] =	wrdreg $0xFFFFFFFF;
	(pc) =	sbr.abs _section_cstart, $3  }
0xc1: {  	[dreg:$0x1] =	wrdreg $0xFFFFFFFF  }
0xc2: {  	_ =	task.clear_ibuf [dreg:s7], $0x2FFFF;
	_ =	strace $0x9FFFFFFF  }
0xc3: {  	(tm) =	ssettm $0x7FFFFFFF  }
tec
execute0_lowered:
.L_overlay_start_1:
0x0: {  	(tag) =	ssettag $0x1  }
0x1: {  	s1 =	rddreg [dreg:$0x0]  }
0x2: {  	s13 =	rddreg [dreg:$0x1]  }
0x3: {  	s3 =	rddreg [dreg:$0x2];
	s4 =	simm.s32 $0x0  }
0x4: {  	s0 =	stileid.u32;
	s7 =	srdreg.scid;
	s21 =	simm.s32 $0x2  }
0x5: {  	s23 =	simm.s32 $0x80;
	s24 =	simm.s32 $0x50;
	s25 =	simm.s32 $0x100  }
0x6: {  	s26 =	simm.s32 $0x1;
	s28 =	simm.s32 $0x0;
	s6 =	smul.u32 $0x4E2, s0  }
0x7: {  	[smem:$0x7FF] =	sst s4;
	s5 =	sadd.s32 $0xC000, s13;
	s10 =	smul.u32 $0x4E000, s0  }
0x8: {  	s8 =	sand.u32 $0x1, s7;
	s14 =	smul.u32 $0x2700, s0;
	s7 =	sadd.s32 $0x5A400, s13  }
0x9: {  	s17 =	sshll.u32 s0, $0x6;
	p1 =	sne.s32 s0, $0xF;
	p2 =	seq.s32 s0, $0xF  }
0xa: {  	_ =	strace $0x8000004A;
	s9 =	ssub.s32 $0x2, s8;
	p0 =	seq.s32 s8, $0x1  }
0xb: {  	s19 =	sor.u32 $0x1C02, s17;
	s18 =	sadd.s32 s6, s13;
	s6 =	sadd.s32 $0x33200, s13  }
0xc: {  	s11 =	sshrl.u32 s9, $0x1;
	s31 =	sshrl.u32 s10, $0x2;
	s2 =	sadd.s32 s1, s14  }
.Ltmp0:
0xd: {  	s10 =	sadd.s32 $0x27000, s1;
	s12 =	sadd.s32 s5, s14;
	(pc) =	sbr.rel .LBB2_1-.Ltmp0, $4  }
0xe: {  	s13 =	sadd.s32 $0x33000, s13;
	s15 =	ssub.s32 s9, s11;
	s20 =	sadd.s32 s31, s3  }
0xf: {  	[dreg:$0x4] =	wrdreg s2;
	s9 =	sadd.s32 $0x138000, s3;
	s11 =	sadd.s32 s6, s14  }
0x10: {  	s14 =	sadd.s32 s7, s14;
	s16 =	sadd.s32 $0x2000, s18;
	s18 =	sadd.s32 $0x7000, s18  }
0x11: {  	s15 =	smax.u32 s15, $0x1;
	s20 =	sshrl.u32 s20, $0x3;
	s22 =	sshrl.u32 @!p1 s9, $0x3  }
.LBB2_8:
0x12: {  	s0 =	sadd.s32 $0x27000, s30;
	s2 =	sshrl.u32 s9, $0x3  }
0x13: {  	[hbm:s0], [sflag:s29] =	dma.local [spmem:s2], $0x100  }
0x14: {  	_ =	swait.ge [sflag:s21], $0x100  }
0x15: {  	[sflag:s21] =	ssyncset.done $0x0  }
0x16: {  	[sflag:s21] =	ssyncadd.s32 $0xFFFFFF00  }
.LBB2_9:
0x17: {  	s28 =	sadd.s32 $0x1, s28  }
0x18: {  	p3 =	sne.s32 s28, s15  }
.Ltmp1:
0x19: {  	_ = 	snop;
	(pc) =	sbr.rel @!p3 .LBB2_10-.Ltmp1, $1  }
0x1a: {  	_ =	sdelay $0x3  }
.LBB2_1:
.Ltmp2:
0x1b: {  	(pc) =	sbr.rel @!p0 .LBB2_2-.Ltmp2, $1  }
0x1c: {  	_ =	sdelay $0x3  }
0x1d: {  	[spmem:s20], [sflag:s19] =	dma.local [hbm:s12], $0x2700  }
0x1e: {  	_ =	swait.ge [sflag:s21], $0x2700  }
0x1f: {  	[sflag:s21] =	ssyncset.done $0x0  }
0x20: {  	s0 =	simm.s32 @!p1 $0x2;
	[sflag:s21] =	ssyncadd.s32 $0xFFFFD900  }
0x21: {  	[spmem:s22], [sflag:s19] =	dma.local @!p1 [hbm:s13], $0x100  }
0x22: {  	_ =	swait.ge @!p1 [sflag:s0], $0x100  }
0x23: {  	[sflag:s0] =	ssyncset.done @!p1 $0x0  }
0x24: {  	[sflag:s0] =	ssyncadd.s32 @!p1 $0xFFFFFF00  }
0x25: {  	s8 =	sadd.s32 $0x0, s18;
	[bflag:$0x0] =	sbarrier.arrive $0xFFFF  }
0x26: {  	[tilespmem:s4], [sflag:$0x2] =	stream.linear.gather [hbm4b:s8+s4], $0x50, $0x38;
	[tilespmem:$0x16180] =	vst v63  }
0x27: {  	_ =	swait.ge [sflag:s21], $0x50  }
0x28: {  	[sflag:s21] =	ssyncset.done $0x0  }
0x29: {  	s31 =	sadd.s32 $0x0, s16;
	[sflag:s21] =	ssyncadd.s32 $0xFFFFFFB0  }
0x2a: {  	[tilespmem:s23], [sflag:$0x2] =	stream.linear.gather [hbm4b:s31+s4], $0x50, $0x38;
	[tilespmem:$0x16180] =	vst v63  }
0x2b: {  	_ =	swait.ge [sflag:s21], $0x50  }
0x2c: {  	[sflag:s21] =	ssyncset.done $0x0  }
0x2d: {  	[sflag:s21] =	ssyncadd.s32 $0xFFFFFFB0  }
0x2e: {  	[tilespmem:s25], [sflag:$0x1] =	stream.indirect.gather [hbm4b:s5+s24], $0x80, s4, s24, $0xb8;
	[tilespmem:$0x16180] =	vst v63  }
0x2f: {  	_ =	swait.ge [sflag:s26], $0x2800  }
0x30: {  	[sflag:s26] =	ssyncset.done $0x0  }
0x31: {  	[sflag:s26] =	ssyncadd.s32 $0xFFFFD800  }
0x32: {  	[spmem:s3] =	stream.indirect.scatter.add.f32 [tilespmem:s25], [sflag:$0x2], $0x80, s23, s24, $0xb8;
	[tilespmem:$0x16180] =	vst v63  }
0x33: {  	_ =	swait.ge [sflag:s21], $0x2800  }
0x34: {  	s29 =	simm.s32 $0xA;
	s30 =	simm.s32 $0x14;
	[sflag:s21] =	ssyncset.done $0x0  }
.LBB2_6:
0x35: {  	s0 =	sadd.s32 s29, s18  }
0x36: {  	[sflag:s21] =	ssyncadd.s32 $0xFFFFD800;
	s2 =	smov.u32 s30;
	s8 =	sadd.s32 $0xA, s30  }
0x37: {  	[tilespmem:s4], [sflag:$0x2] =	stream.linear.gather [hbm4b:s0+s4], $0x50, $0x38;
	[tilespmem:$0x16180] =	vst v63  }
0x38: {  	p3 =	sne.s32 s30, $0x4D8;
	_ =	swait.ge [sflag:s21], $0x50  }
0x39: {  	[sflag:s21] =	ssyncset.done $0x0  }
0x3a: {  	s0 =	sadd.s32 s29, s16;
	s29 =	smov.u32 s2;
	[sflag:s21] =	ssyncadd.s32 $0xFFFFFFB0  }
0x3b: {  	[tilespmem:s23], [sflag:$0x2] =	stream.linear.gather [hbm4b:s0+s4], $0x50, $0x38;
	[tilespmem:$0x16180] =	vst v63  }
0x3c: {  	_ =	swait.ge [sflag:s21], $0x50  }
0x3d: {  	[sflag:s21] =	ssyncset.done $0x0  }
0x3e: {  	[sflag:s21] =	ssyncadd.s32 $0xFFFFFFB0  }
0x3f: {  	[tilespmem:s25], [sflag:$0x1] =	stream.indirect.gather [hbm4b:s5+s24], $0x80, s4, s24, $0xb8;
	[tilespmem:$0x16180] =	vst v63  }
0x40: {  	_ =	swait.ge [sflag:s26], $0x2800  }
.Ltmp3:
0x41: {  	[sflag:s26] =	ssyncset.done $0x0;
	(pc) =	sbr.rel @p3 .LBB2_6-.Ltmp3, $4  }
0x42: {  	[sflag:s26] =	ssyncadd.s32 $0xFFFFD800  }
0x43: {  	[spmem:s3] =	stream.indirect.scatter.add.f32 [tilespmem:s25], [sflag:$0x2], $0x80, s23, s24, $0xb8;
	[tilespmem:$0x16180] =	vst v63  }
0x44: {  	_ =	swait.ge [sflag:s21], $0x2800  }
0x45: {  	s30 =	smov.u32 s8;
	[sflag:s21] =	ssyncset.done $0x0  }
0x46: {  	s0 =	sadd.s32 s29, s18;
	[sflag:s21] =	ssyncadd.s32 $0xFFFFD800  }
0x47: {  	[tilespmem:s4], [sflag:$0x2] =	stream.linear.gather [hbm4b:s0+s4], $0x50, $0x38;
	[tilespmem:$0x16180] =	vst v63  }
0x48: {  	_ =	swait.ge [sflag:s21], $0x50  }
0x49: {  	[sflag:s21] =	ssyncset.done $0x0  }
0x4a: {  	s31 =	sadd.s32 s29, s16;
	[sflag:s21] =	ssyncadd.s32 $0xFFFFFFB0  }
0x4b: {  	[tilespmem:s23], [sflag:$0x2] =	stream.linear.gather [hbm4b:s31+s4], $0x50, $0x38;
	[tilespmem:$0x16180] =	vst v63  }
0x4c: {  	_ =	swait.ge [sflag:s21], $0x50  }
0x4d: {  	[sflag:s21] =	ssyncset.done $0x0  }
0x4e: {  	[sflag:s21] =	ssyncadd.s32 $0xFFFFFFB0  }
0x4f: {  	[tilespmem:s25], [sflag:$0x1] =	stream.indirect.gather [hbm4b:s5+s24], $0x80, s4, s24, $0xb8;
	[tilespmem:$0x16180] =	vst v63  }
0x50: {  	_ =	swait.ge [sflag:s26], $0x2800  }
0x51: {  	[sflag:s26] =	ssyncset.done $0x0  }
0x52: {  	[sflag:s26] =	ssyncadd.s32 $0xFFFFD800  }
0x53: {  	[spmem:s3] =	stream.indirect.scatter.add.f32 [tilespmem:s25], [sflag:$0x2], $0x80, s23, s24, $0xb8;
	[tilespmem:$0x16180] =	vst v63  }
0x54: {  	_ =	swait.ge [sflag:s21], $0x2800  }
0x55: {  	[sflag:s21] =	ssyncset.done $0x0  }
0x56: {  	[sflag:s21] =	ssyncadd.s32 $0xFFFFD800  }
0x57: {  	[bflag:$0x0] =	sbarrier.arrive $0xFFFF  }
0x58: {  	[hbm:s14], [sflag:s19] =	dma.local [spmem:s20], $0x2700  }
.Ltmp4:
0x59: {  	_ = 	snop;
	(pc) =	sbr.rel @p1 .LBB2_9-.Ltmp4, $4  }
.Ltmp5:
0x5a: {  	_ = 	snop;
	(pc) =	sbr.rel @!p1 .LBB2_8-.Ltmp5, $4  }
0x5b: {  	_ =	swait.ge [sflag:s21], $0x2700  }
0x5c: {  	[sflag:s21] =	ssyncset.done $0x0  }
0x5d: {  	s30 =	smov.u32 s7;
	s29 =	smov.u32 s19;
	[sflag:s21] =	ssyncadd.s32 $0xFFFFD900  }
0x5e: {  	_ = 	snop  }
.LBB2_2:
0x5f: {  	s29 =	sor.u32 $0x1C02, s17;
	s0 =	rddreg [dreg:$0x4]  }
0x60: {  	[spmem:s20], [sflag:s29] =	dma.local [hbm:s0], $0x2700  }
0x61: {  	_ =	swait.ge [sflag:s21], $0x2700  }
0x62: {  	[sflag:s21] =	ssyncset.done $0x0  }
0x63: {  	s30 =	simm.s32 @!p1 $0x2;
	[sflag:s21] =	ssyncadd.s32 $0xFFFFD900  }
0x64: {  	[spmem:s22], [sflag:s29] =	dma.local @!p1 [hbm:s10], $0x100  }
0x65: {  	_ =	swait.ge @!p1 [sflag:s30], $0x100  }
0x66: {  	[sflag:s30] =	ssyncset.done @!p1 $0x0  }
0x67: {  	[sflag:s30] =	ssyncadd.s32 @!p1 $0xFFFFFF00  }
0x68: {  	s30 =	sadd.s32 $0x0, s18;
	[bflag:$0x0] =	sbarrier.arrive $0xFFFF  }
0x69: {  	[tilespmem:s4], [sflag:$0x2] =	stream.linear.gather [hbm4b:s30+s4], $0x50, $0x38;
	[tilespmem:$0x16180] =	vst v63  }
0x6a: {  	_ =	swait.ge [sflag:s21], $0x50  }
0x6b: {  	[sflag:s21] =	ssyncset.done $0x0  }
0x6c: {  	s30 =	sadd.s32 $0x0, s16;
	[sflag:s21] =	ssyncadd.s32 $0xFFFFFFB0  }
0x6d: {  	[tilespmem:s23], [sflag:$0x2] =	stream.linear.gather [hbm4b:s30+s4], $0x50, $0x38;
	[tilespmem:$0x16180] =	vst v63  }
0x6e: {  	_ =	swait.ge [sflag:s21], $0x50  }
0x6f: {  	[sflag:s21] =	ssyncset.done $0x0  }
0x70: {  	[sflag:s21] =	ssyncadd.s32 $0xFFFFFFB0  }
0x71: {  	[tilespmem:s25], [sflag:$0x1] =	stream.indirect.gather [hbm4b:s1+s24], $0x80, s4, s24, $0xb8;
	[tilespmem:$0x16180] =	vst v63  }
0x72: {  	_ =	swait.ge [sflag:s26], $0x2800  }
0x73: {  	[sflag:s26] =	ssyncset.done $0x0  }
0x74: {  	[sflag:s26] =	ssyncadd.s32 $0xFFFFD800  }
0x75: {  	[spmem:s3] =	stream.indirect.scatter.add.f32 [tilespmem:s25], [sflag:$0x2], $0x80, s23, s24, $0xb8;
	[tilespmem:$0x16180] =	vst v63  }
0x76: {  	_ =	swait.ge [sflag:s21], $0x2800  }
0x77: {  	s31 =	simm.s32 $0x14;
	s30 =	simm.s32 $0xA;
	[sflag:s21] =	ssyncset.done $0x0  }
.LBB2_3:
0x78: {  	s0 =	sadd.s32 s30, s18  }
0x79: {  	[sflag:s21] =	ssyncadd.s32 $0xFFFFD800;
	s2 =	smov.u32 s31;
	s8 =	sadd.s32 $0xA, s31  }
0x7a: {  	[tilespmem:s4], [sflag:$0x2] =	stream.linear.gather [hbm4b:s0+s4], $0x50, $0x38;
	[tilespmem:$0x16180] =	vst v63  }
0x7b: {  	p3 =	sne.s32 s31, $0x4D8;
	_ =	swait.ge [sflag:s21], $0x50  }
0x7c: {  	[sflag:s21] =	ssyncset.done $0x0  }
0x7d: {  	s0 =	sadd.s32 s30, s16;
	s30 =	smov.u32 s2;
	[sflag:s21] =	ssyncadd.s32 $0xFFFFFFB0  }
0x7e: {  	[tilespmem:s23], [sflag:$0x2] =	stream.linear.gather [hbm4b:s0+s4], $0x50, $0x38;
	[tilespmem:$0x16180] =	vst v63  }
0x7f: {  	_ =	swait.ge [sflag:s21], $0x50  }
0x80: {  	[sflag:s21] =	ssyncset.done $0x0  }
0x81: {  	[sflag:s21] =	ssyncadd.s32 $0xFFFFFFB0  }
0x82: {  	[tilespmem:s25], [sflag:$0x1] =	stream.indirect.gather [hbm4b:s1+s24], $0x80, s4, s24, $0xb8;
	[tilespmem:$0x16180] =	vst v63  }
0x83: {  	_ =	swait.ge [sflag:s26], $0x2800  }
.Ltmp6:
0x84: {  	[sflag:s26] =	ssyncset.done $0x0;
	(pc) =	sbr.rel @p3 .LBB2_3-.Ltmp6, $4  }
0x85: {  	[sflag:s26] =	ssyncadd.s32 $0xFFFFD800  }
0x86: {  	[spmem:s3] =	stream.indirect.scatter.add.f32 [tilespmem:s25], [sflag:$0x2], $0x80, s23, s24, $0xb8;
	[tilespmem:$0x16180] =	vst v63  }
0x87: {  	_ =	swait.ge [sflag:s21], $0x2800  }
0x88: {  	s31 =	smov.u32 s8;
	[sflag:s21] =	ssyncset.done $0x0  }
0x89: {  	s0 =	sadd.s32 s30, s18;
	[sflag:s21] =	ssyncadd.s32 $0xFFFFD800  }
0x8a: {  	[tilespmem:s4], [sflag:$0x2] =	stream.linear.gather [hbm4b:s0+s4], $0x50, $0x38;
	[tilespmem:$0x16180] =	vst v63  }
0x8b: {  	_ =	swait.ge [sflag:s21], $0x50  }
0x8c: {  	[sflag:s21] =	ssyncset.done $0x0  }
0x8d: {  	s31 =	sadd.s32 s30, s16;
	[sflag:s21] =	ssyncadd.s32 $0xFFFFFFB0  }
0x8e: {  	[tilespmem:s23], [sflag:$0x2] =	stream.linear.gather [hbm4b:s31+s4], $0x50, $0x38;
	[tilespmem:$0x16180] =	vst v63  }
0x8f: {  	_ =	swait.ge [sflag:s21], $0x50  }
0x90: {  	[sflag:s21] =	ssyncset.done $0x0  }
0x91: {  	[sflag:s21] =	ssyncadd.s32 $0xFFFFFFB0  }
0x92: {  	[tilespmem:s25], [sflag:$0x1] =	stream.indirect.gather [hbm4b:s1+s24], $0x80, s4, s24, $0xb8;
	[tilespmem:$0x16180] =	vst v63  }
0x93: {  	_ =	swait.ge [sflag:s26], $0x2800  }
0x94: {  	[sflag:s26] =	ssyncset.done $0x0  }
0x95: {  	[sflag:s26] =	ssyncadd.s32 $0xFFFFD800  }
0x96: {  	[spmem:s3] =	stream.indirect.scatter.add.f32 [tilespmem:s25], [sflag:$0x2], $0x80, s23, s24, $0xb8;
	[tilespmem:$0x16180] =	vst v63  }
0x97: {  	_ =	swait.ge [sflag:s21], $0x2800  }
0x98: {  	[sflag:s21] =	ssyncset.done $0x0  }
0x99: {  	[sflag:s21] =	ssyncadd.s32 $0xFFFFD800  }
0x9a: {  	[bflag:$0x0] =	sbarrier.arrive $0xFFFF  }
0x9b: {  	[hbm:s11], [sflag:s29] =	dma.local [spmem:s20], $0x2700  }
.Ltmp7:
0x9c: {  	_ = 	snop;
	(pc) =	sbr.rel @p2 .LBB2_8-.Ltmp7, $4  }
.Ltmp8:
0x9d: {  	_ = 	snop;
	(pc) =	sbr.rel @!p2 .LBB2_9-.Ltmp8, $4  }
0x9e: {  	_ =	swait.ge [sflag:s21], $0x2700  }
0x9f: {  	[sflag:s21] =	ssyncset.done $0x0  }
0xa0: {  	s30 =	smov.u32 s6;
	[sflag:s21] =	ssyncadd.s32 $0xFFFFD900  }
0xa1: {  	_ = 	snop  }
.LBB2_10:
0xa2: {  	_ =	sfence.sel $0x180000  }
0xa3: {  	[bflag:$0x0] =	sbarrier.arrive $0xFFFF  }
0xa4: {  	_ =	strace $0x9000004A  }
0xa5: {  	s0 =	stileid.u32;
	[bflag:$0x2] =	sbarrier.arrive $0xFFFF  }
0xa6: {  	p0 =	sne.s32 s0, $0x0;
	s0 =	rddreg [dreg:$0x3]  }
0xa7: {  	s0 =	sadd.s32 @!p0 $0x100000, s0  }
0xa8: {  	[sflag:s0] =	ssyncadd.tile.s32 @!p0 $0x1;
	_ =	shalt  }
.Lfunc_end2:
_tile_overlayer_lowered:
.L_overlay_start_2:
0xa9: {  	(tag) =	ssettag $0x2  }
0xaa: {  	s0 =	rddreg [dreg:$0x0];
	s2 =	stileid.u32  }
0xab: {  	s1 =	rddreg [dreg:$0x1];
	p0 =	sne.s32 s2, $0x0  }
0xac: {  	s3 =	rddreg [dreg:$0x2];
	[bflag:$0x3] =	sbarrier.arrive $0xFFFF;
	s2 =	simm.s32 @!p0 $0x1C02  }
0xad: {  	[timem:s3], [sflag:s2] =	dma.local @!p0 [hbm:s0], s1  }
0xae: {  	s0 =	simm.s32 @!p0 $0x2  }
0xaf: {  	_ =	swait.ge @!p0 [sflag:s0], s1  }
0xb0: {  	s1 =	ssub.s32 @!p0 $0x0, s1;
	[sflag:s0] =	ssyncset.done @!p0 $0x0  }
0xb1: {  	[sflag:s0] =	ssyncadd.s32 @!p0 s1  }
0xb2: {  	[bflag:$0x3] =	sbarrier.arrive $0xFFFF  }
0xb3: {  	_ =	shalt  }

</sc_bundles>
